<compile_context>
chip_gen: v7x
topology: tpu7x:2x2x1
jax: 0.10.2.dev20260603
libtpu: 0.0.44.dev20260713+nightly
codegen_flags: <defaults>
</compile_context>

<pallas_src>
import functools

import jax
import jax.numpy as jnp
from jax import lax
from jax.experimental import pallas as pl
from jax.experimental.pallas import tpu as pltpu
from jax.experimental.pallas import tpu_sc as plsc

_INFO = plsc.get_sparse_core_info()
_NC = _INFO.num_cores
_NS = _INFO.num_subcores
_NW = _NC * _NS

_CHUNK = 32
_NBUF = 4


def _make_gather(V, D, n_rows, n_cols):
  B = n_rows * n_cols
  assert B % _NW == 0
  b_per_w = B // _NW
  assert b_per_w % _CHUNK == 0 and n_cols % b_per_w == 0
  w_per_row = n_cols // b_per_w
  n_chunks = b_per_w // _CHUNK
  mesh = plsc.VectorSubcoreMesh(core_axis_name="c", subcore_axis_name="s")

  @functools.partial(
      pl.kernel,
      mesh=mesh,
      out_type=jax.ShapeDtypeStruct((n_rows, n_cols, D), jnp.float32),
      scratch_types=(
          [pltpu.VMEM((b_per_w,), jnp.int32)]
          + [pltpu.VMEM((_CHUNK, D), jnp.float32) for _ in range(_NBUF)]
          + [pltpu.SemaphoreType.DMA for _ in range(2 * _NBUF)]
      ),
  )
  def gather_kernel(idx_hbm, table_hbm, out_hbm, idx_v, *scratch):
    bufs = scratch[:_NBUF]
    gsems = scratch[_NBUF:2 * _NBUF]
    osems = scratch[2 * _NBUF:]
    wid = lax.axis_index("s") * _NC + lax.axis_index("c")
    row = wid // w_per_row
    col0 = (wid % w_per_row) * b_per_w
    pltpu.sync_copy(idx_hbm.at[row, pl.ds(col0, b_per_w)], idx_v)

    gather = [None] * _NBUF
    put = [None] * _NBUF

    for c in range(min(_NBUF, n_chunks)):
      gather[c] = pltpu.async_copy(
          table_hbm.at[idx_v.at[pl.ds(c * _CHUNK, _CHUNK)]], bufs[c],
          gsems[c])
    for c in range(n_chunks):
      b = c % _NBUF
      gather[b].wait()
      put[b] = pltpu.async_copy(
          bufs[b], out_hbm.at[row, pl.ds(col0 + c * _CHUNK, _CHUNK)],
          osems[b])
      nxt = c + _NBUF
      if nxt < n_chunks:
        put[b].wait()
        gather[b] = pltpu.async_copy(
            table_hbm.at[idx_v.at[pl.ds(nxt * _CHUNK, _CHUNK)]], bufs[b],
            gsems[b])
    for b in range(_NBUF):
      if put[b] is not None:
        put[b].wait()

  return gather_kernel


def kernel(tokens, W_E):
  n_rows, n_cols = tokens.shape
  V, D = W_E.shape
  idx = tokens.astype(jnp.int32)
  return _make_gather(V, D, n_rows, n_cols)(idx, W_E)

# --- scband reference (transcript-rebuilt; emitter-appended) ---
"""Pipeline reference for scband-embed-49478023250072 (READ-ONLY COPY).

The authoritative reference and input builder live on the scoring server;
editing this copy changes nothing except your own understanding.
"""

import jax, jax.numpy as jnp
import numpy as np

D_VOCAB = 50278
D_MODEL = 768
INIT_RANGE = 0.02


def setup_inputs(seed: int = 0) -> dict:
    key = jax.random.key(seed)
    k_tok, k_w = jax.random.split(key)
    tokens = jax.random.randint(k_tok, (4, 2048), 0, D_VOCAB, dtype=jnp.int64 if jax.config.jax_enable_x64 else jnp.int32)
    W_E = jax.random.normal(k_w, (D_VOCAB, D_MODEL), dtype=jnp.float32) * INIT_RANGE
    return {"tokens": tokens, "W_E": W_E}


def reference(tokens, W_E):
    # Embed.forward: return self.W_E[tokens]
    return jnp.take(W_E, tokens, axis=0)

if __name__ == "__main__":
    import jax
    _d = setup_inputs()
    print(jax.jit(kernel)(*tuple(_d.values())))

</pallas_src>

<mosaic_0001>
#map = affine_map<(d0, d1) -> (0, 0)>
#map1 = affine_map<(d0, d1) -> (0, 0, 0)>
module attributes {stable_mosaic.version = 14 : i64} {
  func.func @gather_kernel(%arg0: i32, %arg1: i32, %arg2: memref<4x2048xi32, #tpu.memory_space<hbm>>, %arg3: memref<50278x768xf32, #tpu.memory_space<hbm>>, %arg4: memref<4x2048x768xf32, #tpu.memory_space<hbm>>, %arg5: memref<256xi32, #tpu.memory_space<vmem>>, %arg6: memref<32x768xf32, #tpu.memory_space<vmem>>, %arg7: memref<32x768xf32, #tpu.memory_space<vmem>>, %arg8: memref<32x768xf32, #tpu.memory_space<vmem>>, %arg9: memref<32x768xf32, #tpu.memory_space<vmem>>, %arg10: memref<!tpu.dma_semaphore, #tpu.memory_space<semaphore_mem>>, %arg11: memref<!tpu.dma_semaphore, #tpu.memory_space<semaphore_mem>>, %arg12: memref<!tpu.dma_semaphore, #tpu.memory_space<semaphore_mem>>, %arg13: memref<!tpu.dma_semaphore, #tpu.memory_space<semaphore_mem>>, %arg14: memref<!tpu.dma_semaphore, #tpu.memory_space<semaphore_mem>>, %arg15: memref<!tpu.dma_semaphore, #tpu.memory_space<semaphore_mem>>, %arg16: memref<!tpu.dma_semaphore, #tpu.memory_space<semaphore_mem>>, %arg17: memref<!tpu.dma_semaphore, #tpu.memory_space<semaphore_mem>>) attributes {dimension_semantics = [#tpu.dimension_semantics<core_parallel>, #tpu.dimension_semantics<subcore_parallel>], iteration_bounds = array<i64: 2, 16>, scalar_prefetch = 0 : i64, scratch_operands = 13 : i64, tpu.core_type = #tpu.core_type<sc_vector_subcore>, window_params = [{transform_indices = #map}, {transform_indices = #map}, {transform_indices = #map1}]} {
    %mul3A = arith.constant 2 : i32
    %mul3A_0 = arith.muli %arg1, %mul3A : i32
    %add3A = arith.addi %mul3A_0, %arg0 : i32
    %jit3A = arith.constant 8 : i32
    %div3A = arith.divsi %add3A, %jit3A : i32
    %sign3A = arith.constant 0 : i32
    %sign3A_1 = arith.cmpi sgt, %add3A, %sign3A : i32
    %sign3A_2 = arith.extui %sign3A_1 : i1 to i32
    %sign3A_3 = arith.constant 0 : i32
    %sign3A_4 = arith.cmpi slt, %add3A, %sign3A_3 : i32
    %sign3A_5 = arith.extui %sign3A_4 : i1 to i32
    %sign3A_6 = arith.subi %sign3A_2, %sign3A_5 : i32
    %sign3A_7 = arith.constant 0 : i32
    %sign3A_8 = arith.cmpi sgt, %jit3A, %sign3A_7 : i32
    %sign3A_9 = arith.extui %sign3A_8 : i1 to i32
    %sign3A_10 = arith.constant 0 : i32
    %sign3A_11 = arith.cmpi slt, %jit3A, %sign3A_10 : i32
    %sign3A_12 = arith.extui %sign3A_11 : i1 to i32
    %sign3A_13 = arith.subi %sign3A_9, %sign3A_12 : i32
    %ne3A = arith.cmpi ne, %sign3A_6, %sign3A_13 : i32
    %rem3A = arith.remsi %add3A, %jit3A : i32
    %ne3A_14 = arith.constant 0 : i32
    %ne3A_15 = arith.cmpi ne, %rem3A, %ne3A_14 : i32
    %and3A = arith.andi %ne3A, %ne3A_15 : i1
    %sub3A = arith.constant 1 : i32
    %sub3A_16 = arith.subi %div3A, %sub3A : i32
    %select_n3A = arith.select %and3A, %sub3A_16, %div3A : i32
    %jit3A_17 = arith.constant 8 : i32
    %eq3A = arith.constant 0 : i32
    %eq3A_18 = arith.cmpi eq, %jit3A_17, %eq3A : i32
    %jit3A_19 = arith.constant 1 : i32
    %select_n3A_20 = arith.select %eq3A_18, %jit3A_19, %jit3A_17 : i32
    %rem3A_21 = arith.remsi %add3A, %select_n3A_20 : i32
    %ne3A_22 = arith.constant 0 : i32
    %ne3A_23 = arith.cmpi ne, %rem3A_21, %ne3A_22 : i32
    %lt3A = arith.constant 0 : i32
    %lt3A_24 = arith.cmpi slt, %rem3A_21, %lt3A : i32
    %lt3A_25 = arith.constant 0 : i32
    %lt3A_26 = arith.cmpi slt, %select_n3A_20, %lt3A_25 : i32
    %ne3A_27 = arith.xori %lt3A_24, %lt3A_26 : i1
    %and3A_28 = arith.andi %ne3A_27, %ne3A_23 : i1
    %add3A_29 = arith.addi %rem3A_21, %select_n3A_20 : i32
    %select_n3A_30 = arith.select %and3A_28, %add3A_29, %rem3A_21 : i32
    %mul3A_31 = arith.constant 256 : i32
    %mul3A_32 = arith.muli %select_n3A_30, %mul3A_31 : i32
    "tpu.region"() ({
      %run_scoped3A = tpu.sem_alloc : memref<!tpu.dma_semaphore, #tpu.memory_space<semaphore_mem>>
      %dma_start3A_223 = tpu.memref_slice %arg2[%select_n3A, %mul3A_32] : memref<4x2048xi32, #tpu.memory_space<hbm>> -> memref<1x256xi32, #tpu.memory_space<hbm>>
      %dma_start3A_224 = tpu.memref_squeeze %dma_start3A_223 : memref<1x256xi32, #tpu.memory_space<hbm>> -> memref<256xi32, #tpu.memory_space<hbm>>
      %dma_start3A_225 = tpu.memref_slice %arg2[%select_n3A, %mul3A_32] : memref<4x2048xi32, #tpu.memory_space<hbm>> -> memref<1x256xi32, #tpu.memory_space<hbm>>
      %dma_start3A_226 = tpu.memref_squeeze %dma_start3A_225 : memref<1x256xi32, #tpu.memory_space<hbm>> -> memref<256xi32, #tpu.memory_space<hbm>>
      tpu.enqueue_dma source(%dma_start3A_226 : memref<256xi32, #tpu.memory_space<hbm>>) target(%arg5 : memref<256xi32, #tpu.memory_space<vmem>>) target_semaphore(%run_scoped3A : memref<!tpu.dma_semaphore, #tpu.memory_space<semaphore_mem>>)
      %dma_wait3A_227 = tpu.memref_slice %arg2[%select_n3A, %mul3A_32] : memref<4x2048xi32, #tpu.memory_space<hbm>> -> memref<1x256xi32, #tpu.memory_space<hbm>>
      %dma_wait3A_228 = tpu.memref_squeeze %dma_wait3A_227 : memref<1x256xi32, #tpu.memory_space<hbm>> -> memref<256xi32, #tpu.memory_space<hbm>>
      %dma_wait3A_229 = tpu.memref_slice %arg2[%select_n3A, %mul3A_32] : memref<4x2048xi32, #tpu.memory_space<hbm>> -> memref<1x256xi32, #tpu.memory_space<hbm>>
      %dma_wait3A_230 = tpu.memref_squeeze %dma_wait3A_229 : memref<1x256xi32, #tpu.memory_space<hbm>> -> memref<256xi32, #tpu.memory_space<hbm>>
      tpu.wait_dma2 semaphore(%run_scoped3A : memref<!tpu.dma_semaphore, #tpu.memory_space<semaphore_mem>>) src(%dma_wait3A_230 : memref<256xi32, #tpu.memory_space<hbm>>) dst(%arg5 : memref<256xi32, #tpu.memory_space<vmem>>)
      tpu.yield
    }) : () -> ()
    %dma_start3A = arith.constant 0 : i32
    %dma_start3A_33 = tpu.memref_slice %arg5[%dma_start3A] : memref<256xi32, #tpu.memory_space<vmem>> -> memref<32xi32, #tpu.memory_space<vmem>>
    %dma_start3A_34 = arith.constant 0 : i32
    %dma_start3A_35 = arith.constant 0 : i32
    %dma_start3A_36 = tpu.memref_slice %arg3[%dma_start3A_34, %dma_start3A_35] : memref<50278x768xf32, #tpu.memory_space<hbm>> -> memref<50278x768xf32, #tpu.memory_space<hbm>>
    tpu.enqueue_indirect_dma source(%dma_start3A_36 : memref<50278x768xf32, #tpu.memory_space<hbm>>) target(%arg6 : memref<32x768xf32, #tpu.memory_space<vmem>>) offsets(%dma_start3A_33 : memref<32xi32, #tpu.memory_space<vmem>>) semaphore(%arg10 : memref<!tpu.dma_semaphore, #tpu.memory_space<semaphore_mem>>)
    %dma_start3A_37 = arith.constant 32 : i32
    %dma_start3A_38 = tpu.memref_slice %arg5[%dma_start3A_37] : memref<256xi32, #tpu.memory_space<vmem>> -> memref<32xi32, #tpu.memory_space<vmem>>
    %dma_start3A_39 = arith.constant 0 : i32
    %dma_start3A_40 = arith.constant 0 : i32
    %dma_start3A_41 = tpu.memref_slice %arg3[%dma_start3A_39, %dma_start3A_40] : memref<50278x768xf32, #tpu.memory_space<hbm>> -> memref<50278x768xf32, #tpu.memory_space<hbm>>
    tpu.enqueue_indirect_dma source(%dma_start3A_41 : memref<50278x768xf32, #tpu.memory_space<hbm>>) target(%arg7 : memref<32x768xf32, #tpu.memory_space<vmem>>) offsets(%dma_start3A_38 : memref<32xi32, #tpu.memory_space<vmem>>) semaphore(%arg11 : memref<!tpu.dma_semaphore, #tpu.memory_space<semaphore_mem>>)
    %dma_start3A_42 = arith.constant 64 : i32
    %dma_start3A_43 = tpu.memref_slice %arg5[%dma_start3A_42] : memref<256xi32, #tpu.memory_space<vmem>> -> memref<32xi32, #tpu.memory_space<vmem>>
    %dma_start3A_44 = arith.constant 0 : i32
    %dma_start3A_45 = arith.constant 0 : i32
    %dma_start3A_46 = tpu.memref_slice %arg3[%dma_start3A_44, %dma_start3A_45] : memref<50278x768xf32, #tpu.memory_space<hbm>> -> memref<50278x768xf32, #tpu.memory_space<hbm>>
    tpu.enqueue_indirect_dma source(%dma_start3A_46 : memref<50278x768xf32, #tpu.memory_space<hbm>>) target(%arg8 : memref<32x768xf32, #tpu.memory_space<vmem>>) offsets(%dma_start3A_43 : memref<32xi32, #tpu.memory_space<vmem>>) semaphore(%arg12 : memref<!tpu.dma_semaphore, #tpu.memory_space<semaphore_mem>>)
    %dma_start3A_47 = arith.constant 96 : i32
    %dma_start3A_48 = tpu.memref_slice %arg5[%dma_start3A_47] : memref<256xi32, #tpu.memory_space<vmem>> -> memref<32xi32, #tpu.memory_space<vmem>>
    %dma_start3A_49 = arith.constant 0 : i32
    %dma_start3A_50 = arith.constant 0 : i32
    %dma_start3A_51 = tpu.memref_slice %arg3[%dma_start3A_49, %dma_start3A_50] : memref<50278x768xf32, #tpu.memory_space<hbm>> -> memref<50278x768xf32, #tpu.memory_space<hbm>>
    tpu.enqueue_indirect_dma source(%dma_start3A_51 : memref<50278x768xf32, #tpu.memory_space<hbm>>) target(%arg9 : memref<32x768xf32, #tpu.memory_space<vmem>>) offsets(%dma_start3A_48 : memref<32xi32, #tpu.memory_space<vmem>>) semaphore(%arg13 : memref<!tpu.dma_semaphore, #tpu.memory_space<semaphore_mem>>)
    %dma_wait3A = arith.constant 0 : i32
    %dma_wait3A_52 = tpu.memref_slice %arg5[%dma_wait3A] : memref<256xi32, #tpu.memory_space<vmem>> -> memref<32xi32, #tpu.memory_space<vmem>>
    %dma_wait3A_53 = arith.constant 0 : i32
    %dma_wait3A_54 = arith.constant 0 : i32
    %dma_wait3A_55 = tpu.memref_slice %arg3[%dma_wait3A_53, %dma_wait3A_54] : memref<50278x768xf32, #tpu.memory_space<hbm>> -> memref<50278x768xf32, #tpu.memory_space<hbm>>
    tpu.wait_indirect_dma semaphore(%arg10 : memref<!tpu.dma_semaphore, #tpu.memory_space<semaphore_mem>>) src(%dma_wait3A_55 : memref<50278x768xf32, #tpu.memory_space<hbm>>) dst(%arg6 : memref<32x768xf32, #tpu.memory_space<vmem>>)
    %add3A_56 = arith.constant 0 : i32
    %add3A_57 = arith.addi %mul3A_32, %add3A_56 : i32
    %dma_start3A_58 = arith.constant 0 : i32
    %dma_start3A_59 = tpu.memref_slice %arg4[%select_n3A, %add3A_57, %dma_start3A_58] : memref<4x2048x768xf32, #tpu.memory_space<hbm>> -> memref<1x32x768xf32, #tpu.memory_space<hbm>>
    %dma_start3A_60 = tpu.memref_squeeze %dma_start3A_59 : memref<1x32x768xf32, #tpu.memory_space<hbm>> -> memref<32x768xf32, #tpu.memory_space<hbm>>
    %dma_start3A_61 = arith.constant 0 : i32
    %dma_start3A_62 = tpu.memref_slice %arg4[%select_n3A, %add3A_57, %dma_start3A_61] : memref<4x2048x768xf32, #tpu.memory_space<hbm>> -> memref<1x32x768xf32, #tpu.memory_space<hbm>>
    %dma_start3A_63 = tpu.memref_squeeze %dma_start3A_62 : memref<1x32x768xf32, #tpu.memory_space<hbm>> -> memref<32x768xf32, #tpu.memory_space<hbm>>
    tpu.enqueue_dma source(%arg6 : memref<32x768xf32, #tpu.memory_space<vmem>>) target(%dma_start3A_63 : memref<32x768xf32, #tpu.memory_space<hbm>>) target_semaphore(%arg14 : memref<!tpu.dma_semaphore, #tpu.memory_space<semaphore_mem>>)
    %dma_wait3A_64 = arith.constant 0 : i32
    %dma_wait3A_65 = tpu.memref_slice %arg4[%select_n3A, %add3A_57, %dma_wait3A_64] : memref<4x2048x768xf32, #tpu.memory_space<hbm>> -> memref<1x32x768xf32, #tpu.memory_space<hbm>>
    %dma_wait3A_66 = tpu.memref_squeeze %dma_wait3A_65 : memref<1x32x768xf32, #tpu.memory_space<hbm>> -> memref<32x768xf32, #tpu.memory_space<hbm>>
    %dma_wait3A_67 = arith.constant 0 : i32
    %dma_wait3A_68 = tpu.memref_slice %arg4[%select_n3A, %add3A_57, %dma_wait3A_67] : memref<4x2048x768xf32, #tpu.memory_space<hbm>> -> memref<1x32x768xf32, #tpu.memory_space<hbm>>
    %dma_wait3A_69 = tpu.memref_squeeze %dma_wait3A_68 : memref<1x32x768xf32, #tpu.memory_space<hbm>> -> memref<32x768xf32, #tpu.memory_space<hbm>>
    tpu.wait_dma2 semaphore(%arg14 : memref<!tpu.dma_semaphore, #tpu.memory_space<semaphore_mem>>) src(%arg6 : memref<32x768xf32, #tpu.memory_space<vmem>>) dst(%dma_wait3A_69 : memref<32x768xf32, #tpu.memory_space<hbm>>)
    %dma_start3A_70 = arith.constant 128 : i32
    %dma_start3A_71 = tpu.memref_slice %arg5[%dma_start3A_70] : memref<256xi32, #tpu.memory_space<vmem>> -> memref<32xi32, #tpu.memory_space<vmem>>
    %dma_start3A_72 = arith.constant 0 : i32
    %dma_start3A_73 = arith.constant 0 : i32
    %dma_start3A_74 = tpu.memref_slice %arg3[%dma_start3A_72, %dma_start3A_73] : memref<50278x768xf32, #tpu.memory_space<hbm>> -> memref<50278x768xf32, #tpu.memory_space<hbm>>
    tpu.enqueue_indirect_dma source(%dma_start3A_74 : memref<50278x768xf32, #tpu.memory_space<hbm>>) target(%arg6 : memref<32x768xf32, #tpu.memory_space<vmem>>) offsets(%dma_start3A_71 : memref<32xi32, #tpu.memory_space<vmem>>) semaphore(%arg10 : memref<!tpu.dma_semaphore, #tpu.memory_space<semaphore_mem>>)
    %dma_wait3A_75 = arith.constant 32 : i32
    %dma_wait3A_76 = tpu.memref_slice %arg5[%dma_wait3A_75] : memref<256xi32, #tpu.memory_space<vmem>> -> memref<32xi32, #tpu.memory_space<vmem>>
    %dma_wait3A_77 = arith.constant 0 : i32
    %dma_wait3A_78 = arith.constant 0 : i32
    %dma_wait3A_79 = tpu.memref_slice %arg3[%dma_wait3A_77, %dma_wait3A_78] : memref<50278x768xf32, #tpu.memory_space<hbm>> -> memref<50278x768xf32, #tpu.memory_space<hbm>>
    tpu.wait_indirect_dma semaphore(%arg11 : memref<!tpu.dma_semaphore, #tpu.memory_space<semaphore_mem>>) src(%dma_wait3A_79 : memref<50278x768xf32, #tpu.memory_space<hbm>>) dst(%arg7 : memref<32x768xf32, #tpu.memory_space<vmem>>)
    %add3A_80 = arith.constant 32 : i32
    %add3A_81 = arith.addi %mul3A_32, %add3A_80 : i32
    %dma_start3A_82 = arith.constant 0 : i32
    %dma_start3A_83 = tpu.memref_slice %arg4[%select_n3A, %add3A_81, %dma_start3A_82] : memref<4x2048x768xf32, #tpu.memory_space<hbm>> -> memref<1x32x768xf32, #tpu.memory_space<hbm>>
    %dma_start3A_84 = tpu.memref_squeeze %dma_start3A_83 : memref<1x32x768xf32, #tpu.memory_space<hbm>> -> memref<32x768xf32, #tpu.memory_space<hbm>>
    %dma_start3A_85 = arith.constant 0 : i32
    %dma_start3A_86 = tpu.memref_slice %arg4[%select_n3A, %add3A_81, %dma_start3A_85] : memref<4x2048x768xf32, #tpu.memory_space<hbm>> -> memref<1x32x768xf32, #tpu.memory_space<hbm>>
    %dma_start3A_87 = tpu.memref_squeeze %dma_start3A_86 : memref<1x32x768xf32, #tpu.memory_space<hbm>> -> memref<32x768xf32, #tpu.memory_space<hbm>>
    tpu.enqueue_dma source(%arg7 : memref<32x768xf32, #tpu.memory_space<vmem>>) target(%dma_start3A_87 : memref<32x768xf32, #tpu.memory_space<hbm>>) target_semaphore(%arg15 : memref<!tpu.dma_semaphore, #tpu.memory_space<semaphore_mem>>)
    %dma_wait3A_88 = arith.constant 0 : i32
    %dma_wait3A_89 = tpu.memref_slice %arg4[%select_n3A, %add3A_81, %dma_wait3A_88] : memref<4x2048x768xf32, #tpu.memory_space<hbm>> -> memref<1x32x768xf32, #tpu.memory_space<hbm>>
    %dma_wait3A_90 = tpu.memref_squeeze %dma_wait3A_89 : memref<1x32x768xf32, #tpu.memory_space<hbm>> -> memref<32x768xf32, #tpu.memory_space<hbm>>
    %dma_wait3A_91 = arith.constant 0 : i32
    %dma_wait3A_92 = tpu.memref_slice %arg4[%select_n3A, %add3A_81, %dma_wait3A_91] : memref<4x2048x768xf32, #tpu.memory_space<hbm>> -> memref<1x32x768xf32, #tpu.memory_space<hbm>>
    %dma_wait3A_93 = tpu.memref_squeeze %dma_wait3A_92 : memref<1x32x768xf32, #tpu.memory_space<hbm>> -> memref<32x768xf32, #tpu.memory_space<hbm>>
    tpu.wait_dma2 semaphore(%arg15 : memref<!tpu.dma_semaphore, #tpu.memory_space<semaphore_mem>>) src(%arg7 : memref<32x768xf32, #tpu.memory_space<vmem>>) dst(%dma_wait3A_93 : memref<32x768xf32, #tpu.memory_space<hbm>>)
    %dma_start3A_94 = arith.constant 160 : i32
    %dma_start3A_95 = tpu.memref_slice %arg5[%dma_start3A_94] : memref<256xi32, #tpu.memory_space<vmem>> -> memref<32xi32, #tpu.memory_space<vmem>>
    %dma_start3A_96 = arith.constant 0 : i32
    %dma_start3A_97 = arith.constant 0 : i32
    %dma_start3A_98 = tpu.memref_slice %arg3[%dma_start3A_96, %dma_start3A_97] : memref<50278x768xf32, #tpu.memory_space<hbm>> -> memref<50278x768xf32, #tpu.memory_space<hbm>>
    tpu.enqueue_indirect_dma source(%dma_start3A_98 : memref<50278x768xf32, #tpu.memory_space<hbm>>) target(%arg7 : memref<32x768xf32, #tpu.memory_space<vmem>>) offsets(%dma_start3A_95 : memref<32xi32, #tpu.memory_space<vmem>>) semaphore(%arg11 : memref<!tpu.dma_semaphore, #tpu.memory_space<semaphore_mem>>)
    %dma_wait3A_99 = arith.constant 64 : i32
    %dma_wait3A_100 = tpu.memref_slice %arg5[%dma_wait3A_99] : memref<256xi32, #tpu.memory_space<vmem>> -> memref<32xi32, #tpu.memory_space<vmem>>
    %dma_wait3A_101 = arith.constant 0 : i32
    %dma_wait3A_102 = arith.constant 0 : i32
    %dma_wait3A_103 = tpu.memref_slice %arg3[%dma_wait3A_101, %dma_wait3A_102] : memref<50278x768xf32, #tpu.memory_space<hbm>> -> memref<50278x768xf32, #tpu.memory_space<hbm>>
    tpu.wait_indirect_dma semaphore(%arg12 : memref<!tpu.dma_semaphore, #tpu.memory_space<semaphore_mem>>) src(%dma_wait3A_103 : memref<50278x768xf32, #tpu.memory_space<hbm>>) dst(%arg8 : memref<32x768xf32, #tpu.memory_space<vmem>>)
    %add3A_104 = arith.constant 64 : i32
    %add3A_105 = arith.addi %mul3A_32, %add3A_104 : i32
    %dma_start3A_106 = arith.constant 0 : i32
    %dma_start3A_107 = tpu.memref_slice %arg4[%select_n3A, %add3A_105, %dma_start3A_106] : memref<4x2048x768xf32, #tpu.memory_space<hbm>> -> memref<1x32x768xf32, #tpu.memory_space<hbm>>
    %dma_start3A_108 = tpu.memref_squeeze %dma_start3A_107 : memref<1x32x768xf32, #tpu.memory_space<hbm>> -> memref<32x768xf32, #tpu.memory_space<hbm>>
    %dma_start3A_109 = arith.constant 0 : i32
    %dma_start3A_110 = tpu.memref_slice %arg4[%select_n3A, %add3A_105, %dma_start3A_109] : memref<4x2048x768xf32, #tpu.memory_space<hbm>> -> memref<1x32x768xf32, #tpu.memory_space<hbm>>
    %dma_start3A_111 = tpu.memref_squeeze %dma_start3A_110 : memref<1x32x768xf32, #tpu.memory_space<hbm>> -> memref<32x768xf32, #tpu.memory_space<hbm>>
    tpu.enqueue_dma source(%arg8 : memref<32x768xf32, #tpu.memory_space<vmem>>) target(%dma_start3A_111 : memref<32x768xf32, #tpu.memory_space<hbm>>) target_semaphore(%arg16 : memref<!tpu.dma_semaphore, #tpu.memory_space<semaphore_mem>>)
    %dma_wait3A_112 = arith.constant 0 : i32
    %dma_wait3A_113 = tpu.memref_slice %arg4[%select_n3A, %add3A_105, %dma_wait3A_112] : memref<4x2048x768xf32, #tpu.memory_space<hbm>> -> memref<1x32x768xf32, #tpu.memory_space<hbm>>
    %dma_wait3A_114 = tpu.memref_squeeze %dma_wait3A_113 : memref<1x32x768xf32, #tpu.memory_space<hbm>> -> memref<32x768xf32, #tpu.memory_space<hbm>>
    %dma_wait3A_115 = arith.constant 0 : i32
    %dma_wait3A_116 = tpu.memref_slice %arg4[%select_n3A, %add3A_105, %dma_wait3A_115] : memref<4x2048x768xf32, #tpu.memory_space<hbm>> -> memref<1x32x768xf32, #tpu.memory_space<hbm>>
    %dma_wait3A_117 = tpu.memref_squeeze %dma_wait3A_116 : memref<1x32x768xf32, #tpu.memory_space<hbm>> -> memref<32x768xf32, #tpu.memory_space<hbm>>
    tpu.wait_dma2 semaphore(%arg16 : memref<!tpu.dma_semaphore, #tpu.memory_space<semaphore_mem>>) src(%arg8 : memref<32x768xf32, #tpu.memory_space<vmem>>) dst(%dma_wait3A_117 : memref<32x768xf32, #tpu.memory_space<hbm>>)
    %dma_start3A_118 = arith.constant 192 : i32
    %dma_start3A_119 = tpu.memref_slice %arg5[%dma_start3A_118] : memref<256xi32, #tpu.memory_space<vmem>> -> memref<32xi32, #tpu.memory_space<vmem>>
    %dma_start3A_120 = arith.constant 0 : i32
    %dma_start3A_121 = arith.constant 0 : i32
    %dma_start3A_122 = tpu.memref_slice %arg3[%dma_start3A_120, %dma_start3A_121] : memref<50278x768xf32, #tpu.memory_space<hbm>> -> memref<50278x768xf32, #tpu.memory_space<hbm>>
    tpu.enqueue_indirect_dma source(%dma_start3A_122 : memref<50278x768xf32, #tpu.memory_space<hbm>>) target(%arg8 : memref<32x768xf32, #tpu.memory_space<vmem>>) offsets(%dma_start3A_119 : memref<32xi32, #tpu.memory_space<vmem>>) semaphore(%arg12 : memref<!tpu.dma_semaphore, #tpu.memory_space<semaphore_mem>>)
    %dma_wait3A_123 = arith.constant 96 : i32
    %dma_wait3A_124 = tpu.memref_slice %arg5[%dma_wait3A_123] : memref<256xi32, #tpu.memory_space<vmem>> -> memref<32xi32, #tpu.memory_space<vmem>>
    %dma_wait3A_125 = arith.constant 0 : i32
    %dma_wait3A_126 = arith.constant 0 : i32
    %dma_wait3A_127 = tpu.memref_slice %arg3[%dma_wait3A_125, %dma_wait3A_126] : memref<50278x768xf32, #tpu.memory_space<hbm>> -> memref<50278x768xf32, #tpu.memory_space<hbm>>
    tpu.wait_indirect_dma semaphore(%arg13 : memref<!tpu.dma_semaphore, #tpu.memory_space<semaphore_mem>>) src(%dma_wait3A_127 : memref<50278x768xf32, #tpu.memory_space<hbm>>) dst(%arg9 : memref<32x768xf32, #tpu.memory_space<vmem>>)
    %add3A_128 = arith.constant 96 : i32
    %add3A_129 = arith.addi %mul3A_32, %add3A_128 : i32
    %dma_start3A_130 = arith.constant 0 : i32
    %dma_start3A_131 = tpu.memref_slice %arg4[%select_n3A, %add3A_129, %dma_start3A_130] : memref<4x2048x768xf32, #tpu.memory_space<hbm>> -> memref<1x32x768xf32, #tpu.memory_space<hbm>>
    %dma_start3A_132 = tpu.memref_squeeze %dma_start3A_131 : memref<1x32x768xf32, #tpu.memory_space<hbm>> -> memref<32x768xf32, #tpu.memory_space<hbm>>
    %dma_start3A_133 = arith.constant 0 : i32
    %dma_start3A_134 = tpu.memref_slice %arg4[%select_n3A, %add3A_129, %dma_start3A_133] : memref<4x2048x768xf32, #tpu.memory_space<hbm>> -> memref<1x32x768xf32, #tpu.memory_space<hbm>>
    %dma_start3A_135 = tpu.memref_squeeze %dma_start3A_134 : memref<1x32x768xf32, #tpu.memory_space<hbm>> -> memref<32x768xf32, #tpu.memory_space<hbm>>
    tpu.enqueue_dma source(%arg9 : memref<32x768xf32, #tpu.memory_space<vmem>>) target(%dma_start3A_135 : memref<32x768xf32, #tpu.memory_space<hbm>>) target_semaphore(%arg17 : memref<!tpu.dma_semaphore, #tpu.memory_space<semaphore_mem>>)
    %dma_wait3A_136 = arith.constant 0 : i32
    %dma_wait3A_137 = tpu.memref_slice %arg4[%select_n3A, %add3A_129, %dma_wait3A_136] : memref<4x2048x768xf32, #tpu.memory_space<hbm>> -> memref<1x32x768xf32, #tpu.memory_space<hbm>>
    %dma_wait3A_138 = tpu.memref_squeeze %dma_wait3A_137 : memref<1x32x768xf32, #tpu.memory_space<hbm>> -> memref<32x768xf32, #tpu.memory_space<hbm>>
    %dma_wait3A_139 = arith.constant 0 : i32
    %dma_wait3A_140 = tpu.memref_slice %arg4[%select_n3A, %add3A_129, %dma_wait3A_139] : memref<4x2048x768xf32, #tpu.memory_space<hbm>> -> memref<1x32x768xf32, #tpu.memory_space<hbm>>
    %dma_wait3A_141 = tpu.memref_squeeze %dma_wait3A_140 : memref<1x32x768xf32, #tpu.memory_space<hbm>> -> memref<32x768xf32, #tpu.memory_space<hbm>>
    tpu.wait_dma2 semaphore(%arg17 : memref<!tpu.dma_semaphore, #tpu.memory_space<semaphore_mem>>) src(%arg9 : memref<32x768xf32, #tpu.memory_space<vmem>>) dst(%dma_wait3A_141 : memref<32x768xf32, #tpu.memory_space<hbm>>)
    %dma_start3A_142 = arith.constant 224 : i32
    %dma_start3A_143 = tpu.memref_slice %arg5[%dma_start3A_142] : memref<256xi32, #tpu.memory_space<vmem>> -> memref<32xi32, #tpu.memory_space<vmem>>
    %dma_start3A_144 = arith.constant 0 : i32
    %dma_start3A_145 = arith.constant 0 : i32
    %dma_start3A_146 = tpu.memref_slice %arg3[%dma_start3A_144, %dma_start3A_145] : memref<50278x768xf32, #tpu.memory_space<hbm>> -> memref<50278x768xf32, #tpu.memory_space<hbm>>
    tpu.enqueue_indirect_dma source(%dma_start3A_146 : memref<50278x768xf32, #tpu.memory_space<hbm>>) target(%arg9 : memref<32x768xf32, #tpu.memory_space<vmem>>) offsets(%dma_start3A_143 : memref<32xi32, #tpu.memory_space<vmem>>) semaphore(%arg13 : memref<!tpu.dma_semaphore, #tpu.memory_space<semaphore_mem>>)
    %dma_wait3A_147 = arith.constant 128 : i32
    %dma_wait3A_148 = tpu.memref_slice %arg5[%dma_wait3A_147] : memref<256xi32, #tpu.memory_space<vmem>> -> memref<32xi32, #tpu.memory_space<vmem>>
    %dma_wait3A_149 = arith.constant 0 : i32
    %dma_wait3A_150 = arith.constant 0 : i32
    %dma_wait3A_151 = tpu.memref_slice %arg3[%dma_wait3A_149, %dma_wait3A_150] : memref<50278x768xf32, #tpu.memory_space<hbm>> -> memref<50278x768xf32, #tpu.memory_space<hbm>>
    tpu.wait_indirect_dma semaphore(%arg10 : memref<!tpu.dma_semaphore, #tpu.memory_space<semaphore_mem>>) src(%dma_wait3A_151 : memref<50278x768xf32, #tpu.memory_space<hbm>>) dst(%arg6 : memref<32x768xf32, #tpu.memory_space<vmem>>)
    %add3A_152 = arith.constant 128 : i32
    %add3A_153 = arith.addi %mul3A_32, %add3A_152 : i32
    %dma_start3A_154 = arith.constant 0 : i32
    %dma_start3A_155 = tpu.memref_slice %arg4[%select_n3A, %add3A_153, %dma_start3A_154] : memref<4x2048x768xf32, #tpu.memory_space<hbm>> -> memref<1x32x768xf32, #tpu.memory_space<hbm>>
    %dma_start3A_156 = tpu.memref_squeeze %dma_start3A_155 : memref<1x32x768xf32, #tpu.memory_space<hbm>> -> memref<32x768xf32, #tpu.memory_space<hbm>>
    %dma_start3A_157 = arith.constant 0 : i32
    %dma_start3A_158 = tpu.memref_slice %arg4[%select_n3A, %add3A_153, %dma_start3A_157] : memref<4x2048x768xf32, #tpu.memory_space<hbm>> -> memref<1x32x768xf32, #tpu.memory_space<hbm>>
    %dma_start3A_159 = tpu.memref_squeeze %dma_start3A_158 : memref<1x32x768xf32, #tpu.memory_space<hbm>> -> memref<32x768xf32, #tpu.memory_space<hbm>>
    tpu.enqueue_dma source(%arg6 : memref<32x768xf32, #tpu.memory_space<vmem>>) target(%dma_start3A_159 : memref<32x768xf32, #tpu.memory_space<hbm>>) target_semaphore(%arg14 : memref<!tpu.dma_semaphore, #tpu.memory_space<semaphore_mem>>)
    %dma_wait3A_160 = arith.constant 160 : i32
    %dma_wait3A_161 = tpu.memref_slice %arg5[%dma_wait3A_160] : memref<256xi32, #tpu.memory_space<vmem>> -> memref<32xi32, #tpu.memory_space<vmem>>
    %dma_wait3A_162 = arith.constant 0 : i32
    %dma_wait3A_163 = arith.constant 0 : i32
    %dma_wait3A_164 = tpu.memref_slice %arg3[%dma_wait3A_162, %dma_wait3A_163] : memref<50278x768xf32, #tpu.memory_space<hbm>> -> memref<50278x768xf32, #tpu.memory_space<hbm>>
    tpu.wait_indirect_dma semaphore(%arg11 : memref<!tpu.dma_semaphore, #tpu.memory_space<semaphore_mem>>) src(%dma_wait3A_164 : memref<50278x768xf32, #tpu.memory_space<hbm>>) dst(%arg7 : memref<32x768xf32, #tpu.memory_space<vmem>>)
    %add3A_165 = arith.constant 160 : i32
    %add3A_166 = arith.addi %mul3A_32, %add3A_165 : i32
    %dma_start3A_167 = arith.constant 0 : i32
    %dma_start3A_168 = tpu.memref_slice %arg4[%select_n3A, %add3A_166, %dma_start3A_167] : memref<4x2048x768xf32, #tpu.memory_space<hbm>> -> memref<1x32x768xf32, #tpu.memory_space<hbm>>
    %dma_start3A_169 = tpu.memref_squeeze %dma_start3A_168 : memref<1x32x768xf32, #tpu.memory_space<hbm>> -> memref<32x768xf32, #tpu.memory_space<hbm>>
    %dma_start3A_170 = arith.constant 0 : i32
    %dma_start3A_171 = tpu.memref_slice %arg4[%select_n3A, %add3A_166, %dma_start3A_170] : memref<4x2048x768xf32, #tpu.memory_space<hbm>> -> memref<1x32x768xf32, #tpu.memory_space<hbm>>
    %dma_start3A_172 = tpu.memref_squeeze %dma_start3A_171 : memref<1x32x768xf32, #tpu.memory_space<hbm>> -> memref<32x768xf32, #tpu.memory_space<hbm>>
    tpu.enqueue_dma source(%arg7 : memref<32x768xf32, #tpu.memory_space<vmem>>) target(%dma_start3A_172 : memref<32x768xf32, #tpu.memory_space<hbm>>) target_semaphore(%arg15 : memref<!tpu.dma_semaphore, #tpu.memory_space<semaphore_mem>>)
    %dma_wait3A_173 = arith.constant 192 : i32
    %dma_wait3A_174 = tpu.memref_slice %arg5[%dma_wait3A_173] : memref<256xi32, #tpu.memory_space<vmem>> -> memref<32xi32, #tpu.memory_space<vmem>>
    %dma_wait3A_175 = arith.constant 0 : i32
    %dma_wait3A_176 = arith.constant 0 : i32
    %dma_wait3A_177 = tpu.memref_slice %arg3[%dma_wait3A_175, %dma_wait3A_176] : memref<50278x768xf32, #tpu.memory_space<hbm>> -> memref<50278x768xf32, #tpu.memory_space<hbm>>
    tpu.wait_indirect_dma semaphore(%arg12 : memref<!tpu.dma_semaphore, #tpu.memory_space<semaphore_mem>>) src(%dma_wait3A_177 : memref<50278x768xf32, #tpu.memory_space<hbm>>) dst(%arg8 : memref<32x768xf32, #tpu.memory_space<vmem>>)
    %add3A_178 = arith.constant 192 : i32
    %add3A_179 = arith.addi %mul3A_32, %add3A_178 : i32
    %dma_start3A_180 = arith.constant 0 : i32
    %dma_start3A_181 = tpu.memref_slice %arg4[%select_n3A, %add3A_179, %dma_start3A_180] : memref<4x2048x768xf32, #tpu.memory_space<hbm>> -> memref<1x32x768xf32, #tpu.memory_space<hbm>>
    %dma_start3A_182 = tpu.memref_squeeze %dma_start3A_181 : memref<1x32x768xf32, #tpu.memory_space<hbm>> -> memref<32x768xf32, #tpu.memory_space<hbm>>
    %dma_start3A_183 = arith.constant 0 : i32
    %dma_start3A_184 = tpu.memref_slice %arg4[%select_n3A, %add3A_179, %dma_start3A_183] : memref<4x2048x768xf32, #tpu.memory_space<hbm>> -> memref<1x32x768xf32, #tpu.memory_space<hbm>>
    %dma_start3A_185 = tpu.memref_squeeze %dma_start3A_184 : memref<1x32x768xf32, #tpu.memory_space<hbm>> -> memref<32x768xf32, #tpu.memory_space<hbm>>
    tpu.enqueue_dma source(%arg8 : memref<32x768xf32, #tpu.memory_space<vmem>>) target(%dma_start3A_185 : memref<32x768xf32, #tpu.memory_space<hbm>>) target_semaphore(%arg16 : memref<!tpu.dma_semaphore, #tpu.memory_space<semaphore_mem>>)
    %dma_wait3A_186 = arith.constant 224 : i32
    %dma_wait3A_187 = tpu.memref_slice %arg5[%dma_wait3A_186] : memref<256xi32, #tpu.memory_space<vmem>> -> memref<32xi32, #tpu.memory_space<vmem>>
    %dma_wait3A_188 = arith.constant 0 : i32
    %dma_wait3A_189 = arith.constant 0 : i32
    %dma_wait3A_190 = tpu.memref_slice %arg3[%dma_wait3A_188, %dma_wait3A_189] : memref<50278x768xf32, #tpu.memory_space<hbm>> -> memref<50278x768xf32, #tpu.memory_space<hbm>>
    tpu.wait_indirect_dma semaphore(%arg13 : memref<!tpu.dma_semaphore, #tpu.memory_space<semaphore_mem>>) src(%dma_wait3A_190 : memref<50278x768xf32, #tpu.memory_space<hbm>>) dst(%arg9 : memref<32x768xf32, #tpu.memory_space<vmem>>)
    %add3A_191 = arith.constant 224 : i32
    %add3A_192 = arith.addi %mul3A_32, %add3A_191 : i32
    %dma_start3A_193 = arith.constant 0 : i32
    %dma_start3A_194 = tpu.memref_slice %arg4[%select_n3A, %add3A_192, %dma_start3A_193] : memref<4x2048x768xf32, #tpu.memory_space<hbm>> -> memref<1x32x768xf32, #tpu.memory_space<hbm>>
    %dma_start3A_195 = tpu.memref_squeeze %dma_start3A_194 : memref<1x32x768xf32, #tpu.memory_space<hbm>> -> memref<32x768xf32, #tpu.memory_space<hbm>>
    %dma_start3A_196 = arith.constant 0 : i32
    %dma_start3A_197 = tpu.memref_slice %arg4[%select_n3A, %add3A_192, %dma_start3A_196] : memref<4x2048x768xf32, #tpu.memory_space<hbm>> -> memref<1x32x768xf32, #tpu.memory_space<hbm>>
    %dma_start3A_198 = tpu.memref_squeeze %dma_start3A_197 : memref<1x32x768xf32, #tpu.memory_space<hbm>> -> memref<32x768xf32, #tpu.memory_space<hbm>>
    tpu.enqueue_dma source(%arg9 : memref<32x768xf32, #tpu.memory_space<vmem>>) target(%dma_start3A_198 : memref<32x768xf32, #tpu.memory_space<hbm>>) target_semaphore(%arg17 : memref<!tpu.dma_semaphore, #tpu.memory_space<semaphore_mem>>)
    %dma_wait3A_199 = arith.constant 0 : i32
    %dma_wait3A_200 = tpu.memref_slice %arg4[%select_n3A, %add3A_153, %dma_wait3A_199] : memref<4x2048x768xf32, #tpu.memory_space<hbm>> -> memref<1x32x768xf32, #tpu.memory_space<hbm>>
    %dma_wait3A_201 = tpu.memref_squeeze %dma_wait3A_200 : memref<1x32x768xf32, #tpu.memory_space<hbm>> -> memref<32x768xf32, #tpu.memory_space<hbm>>
    %dma_wait3A_202 = arith.constant 0 : i32
    %dma_wait3A_203 = tpu.memref_slice %arg4[%select_n3A, %add3A_153, %dma_wait3A_202] : memref<4x2048x768xf32, #tpu.memory_space<hbm>> -> memref<1x32x768xf32, #tpu.memory_space<hbm>>
    %dma_wait3A_204 = tpu.memref_squeeze %dma_wait3A_203 : memref<1x32x768xf32, #tpu.memory_space<hbm>> -> memref<32x768xf32, #tpu.memory_space<hbm>>
    tpu.wait_dma2 semaphore(%arg14 : memref<!tpu.dma_semaphore, #tpu.memory_space<semaphore_mem>>) src(%arg6 : memref<32x768xf32, #tpu.memory_space<vmem>>) dst(%dma_wait3A_204 : memref<32x768xf32, #tpu.memory_space<hbm>>)
    %dma_wait3A_205 = arith.constant 0 : i32
    %dma_wait3A_206 = tpu.memref_slice %arg4[%select_n3A, %add3A_166, %dma_wait3A_205] : memref<4x2048x768xf32, #tpu.memory_space<hbm>> -> memref<1x32x768xf32, #tpu.memory_space<hbm>>
    %dma_wait3A_207 = tpu.memref_squeeze %dma_wait3A_206 : memref<1x32x768xf32, #tpu.memory_space<hbm>> -> memref<32x768xf32, #tpu.memory_space<hbm>>
    %dma_wait3A_208 = arith.constant 0 : i32
    %dma_wait3A_209 = tpu.memref_slice %arg4[%select_n3A, %add3A_166, %dma_wait3A_208] : memref<4x2048x768xf32, #tpu.memory_space<hbm>> -> memref<1x32x768xf32, #tpu.memory_space<hbm>>
    %dma_wait3A_210 = tpu.memref_squeeze %dma_wait3A_209 : memref<1x32x768xf32, #tpu.memory_space<hbm>> -> memref<32x768xf32, #tpu.memory_space<hbm>>
    tpu.wait_dma2 semaphore(%arg15 : memref<!tpu.dma_semaphore, #tpu.memory_space<semaphore_mem>>) src(%arg7 : memref<32x768xf32, #tpu.memory_space<vmem>>) dst(%dma_wait3A_210 : memref<32x768xf32, #tpu.memory_space<hbm>>)
    %dma_wait3A_211 = arith.constant 0 : i32
    %dma_wait3A_212 = tpu.memref_slice %arg4[%select_n3A, %add3A_179, %dma_wait3A_211] : memref<4x2048x768xf32, #tpu.memory_space<hbm>> -> memref<1x32x768xf32, #tpu.memory_space<hbm>>
    %dma_wait3A_213 = tpu.memref_squeeze %dma_wait3A_212 : memref<1x32x768xf32, #tpu.memory_space<hbm>> -> memref<32x768xf32, #tpu.memory_space<hbm>>
    %dma_wait3A_214 = arith.constant 0 : i32
    %dma_wait3A_215 = tpu.memref_slice %arg4[%select_n3A, %add3A_179, %dma_wait3A_214] : memref<4x2048x768xf32, #tpu.memory_space<hbm>> -> memref<1x32x768xf32, #tpu.memory_space<hbm>>
    %dma_wait3A_216 = tpu.memref_squeeze %dma_wait3A_215 : memref<1x32x768xf32, #tpu.memory_space<hbm>> -> memref<32x768xf32, #tpu.memory_space<hbm>>
    tpu.wait_dma2 semaphore(%arg16 : memref<!tpu.dma_semaphore, #tpu.memory_space<semaphore_mem>>) src(%arg8 : memref<32x768xf32, #tpu.memory_space<vmem>>) dst(%dma_wait3A_216 : memref<32x768xf32, #tpu.memory_space<hbm>>)
    %dma_wait3A_217 = arith.constant 0 : i32
    %dma_wait3A_218 = tpu.memref_slice %arg4[%select_n3A, %add3A_192, %dma_wait3A_217] : memref<4x2048x768xf32, #tpu.memory_space<hbm>> -> memref<1x32x768xf32, #tpu.memory_space<hbm>>
    %dma_wait3A_219 = tpu.memref_squeeze %dma_wait3A_218 : memref<1x32x768xf32, #tpu.memory_space<hbm>> -> memref<32x768xf32, #tpu.memory_space<hbm>>
    %dma_wait3A_220 = arith.constant 0 : i32
    %dma_wait3A_221 = tpu.memref_slice %arg4[%select_n3A, %add3A_192, %dma_wait3A_220] : memref<4x2048x768xf32, #tpu.memory_space<hbm>> -> memref<1x32x768xf32, #tpu.memory_space<hbm>>
    %dma_wait3A_222 = tpu.memref_squeeze %dma_wait3A_221 : memref<1x32x768xf32, #tpu.memory_space<hbm>> -> memref<32x768xf32, #tpu.memory_space<hbm>>
    tpu.wait_dma2 semaphore(%arg17 : memref<!tpu.dma_semaphore, #tpu.memory_space<semaphore_mem>>) src(%arg9 : memref<32x768xf32, #tpu.memory_space<vmem>>) dst(%dma_wait3A_222 : memref<32x768xf32, #tpu.memory_space<hbm>>)
    return
  }
}

</mosaic_0001>

<sc_bundles>
// kernel: kernel.3.cloned.1.call-start
scs
__scs_entry_jumppad:
0x0: {  	(pc) =	sbr.rel $0x88, $3  }
0x1: {  	(tag) =	ssettag $0x0;
	lr =	simm.s32 $0x1  }
0x2: {  	[smem:$0x3F9F] =	sst lr;
	_ =	strace $0xD0000000  }
0x3: {  	_ = 	snop  }
0x4: {  	_ = 	snop  }
0x5: {  	_ = 	snop  }
0x6: {  	_ = 	snop  }
0x7: {  	_ = 	snop  }
__scs_overlays_trampoline_lowered:
0x8: {  	[smem:$0x3FAE] =	sst s0  }
0x9: {  	[smem:$0x3FAF] =	sst s1  }
0xa: {  	[smem:$0x3FB0] =	sst s2  }
0xb: {  	[smem:$0x3FB1] =	sst s3  }
0xc: {  	[smem:$0x3FB2] =	sst s4  }
0xd: {  	[smem:$0x3FB3] =	sst s5  }
0xe: {  	[smem:$0x3FB4] =	sst s6  }
0xf: {  	[smem:$0x3FB5] =	sst s7  }
0x10: {  	[smem:$0x3FB6] =	sst s8  }
0x11: {  	[smem:$0x3FB7] =	sst s9;
	s0 =	simm.s32 @!p0 $0x0  }
0x12: {  	s1 =	sld [smem:$0x3F9D];
	s0 =	simm.s32 @p0 $0x1  }
0x13: {  	[smem:$0x3FB8] =	sst s0;
	s0 =	simm.s32 @!p1 $0x0  }
0x14: {  	s2 =	sld [smem:$0x3F9C];
	s0 =	simm.s32 @p1 $0x1  }
0x15: {  	[smem:$0x3FB9] =	sst s0;
	s0 =	simm.s32 @!p2 $0x0  }
0x16: {  	s3 =	sld [smem:$0x3FDB];
	s0 =	simm.s32 @p2 $0x1  }
0x17: {  	s4 =	simm.s32 $0x1BF5;
	[smem:$0x3FBB] =	sst s0  }
0x18: {  	s0 =	sld [smem:$0x3F9E];
	_ =	swait.ge [sflag:s4], $0x0  }
0x19: {  	s7 =	sld [smem:$0x3F9F]  }
0x1a: {  	s8 =	sadd.s32 $0xFFFFE003, lr  }
0x1b: {  	s9 =	sadd.s32 $0xFFFFFEF7, lr;
	s5 =	simm.s32 $0xFFFFFFFF;
	p2 =	slt.u32 s8, $0xFFFFF086  }
0x1c: {  	p1 =	slt.u32 s9, $0xF7A;
	s5 =	simm.s32 @!p2 $0x0  }
0x1d: {  	s5 =	simm.s32 @p1 $0x1;
	p0 =	seq.s32 s7, s2  }
0x1e: {  	s7 =	smul.u32 @!p0 $0xF7A, s2;
	p2 =	seq.s32 @!p0 s5, $0x0  }
0x1f: {  	s9 =	smul.u32 $0xF7A, s1;
	s8 =	simm.s32 @!p0 $0x1BF5;
	p2 =	por !p2, p0  }
0x20: {  	[sflag:s8] =	ssyncset.s32 @!p0 $0xFFFFF086;
	s6 =	sadd.s32 @!p0 s3, s7;
	s7 =	simm.s32 @!p0 $0x108  }
0x21: {  	s3 =	sadd.s32 s3, s9;
	s6 =	sadd.s32 @!p0 $0x88, s6;
	s7 =	simm.s32 @p2 $0x1082  }
0x22: {  	[simem:s7], [sflag:s8] =	dma.local @!p0 [hbm:s6], $0xF7A  }
0x23: {  	s9 =	sor.u32 $0xD0000000, s2;
	s6 =	simm.s32 $0x108;
	_ =	swait.ge @!p0 [sflag:s8], $0x0  }
0x24: {  	s3 =	sadd.s32 $0x88, s3;
	s6 =	simm.s32 @!p1 $0x1082;
	[sflag:s4] =	ssyncset.s32 $0xFFFFF086  }
0x25: {  	[simem:s6], [sflag:s4] =	dma.local [hbm:s3], $0xF7A  }
0x26: {  	[smem:$0x3F9F] =	sst s1;
	(tag) =	ssettag s2;
	_ =	strace s9  }
0x27: {  	s1 =	sld [smem:$0x3FAF]  }
0x28: {  	s2 =	sld [smem:$0x3FB0]  }
0x29: {  	s4 =	sld [smem:$0x3FB2]  }
0x2a: {  	p0 =	seq.s32 s5, $0x0;
	s5 =	sld [smem:$0x3FB3]  }
0x2b: {  	s6 =	sld [smem:$0x3FB4]  }
0x2c: {  	s7 =	sld [smem:$0x3FB5]  }
0x2d: {  	s3 =	simm.s32 $0x108;
	s8 =	sld [smem:$0x3FB6]  }
0x2e: {  	s3 =	simm.s32 @!p0 $0x1082;
	s9 =	sld [smem:$0x3FB7]  }
0x2f: {  	lr =	sadd.s32 s0, s3;
	s0 =	sld [smem:$0x3FAE]  }
0x30: {  	s3 =	sld [smem:$0x3FB1]  }
0x31: {  	[smem:$0x3FBA] =	sst s10  }
0x32: {  	s10 =	sld [smem:$0x3FB8];
	_ =	sdelay $0x3  }
0x33: {  	p0 =	seq.s32 s10, $0x1;
	s10 =	sld [smem:$0x3FBA];
	_ =	sdelay $0x3  }
0x34: {  	[smem:$0x3FBA] =	sst s10  }
0x35: {  	s10 =	sld [smem:$0x3FB9];
	_ =	sdelay $0x3  }
0x36: {  	p1 =	seq.s32 s10, $0x1;
	s10 =	sld [smem:$0x3FBA];
	_ =	sdelay $0x3  }
0x37: {  	[smem:$0x3FBA] =	sst s10  }
0x38: {  	s10 =	sld [smem:$0x3FBB]  }
0x39: {  	_ = 	snop;
	(pc) =	sbr.ind lr, $3  }
0x3a: {  	_ = 	snop  }
0x3b: {  	_ = 	snop  }
0x3c: {  	p2 =	seq.s32 s10, $0x1;
	s10 =	sld [smem:$0x3FBA]  }
0x3d: {  	_ =	shalt  }
0x3e: {  	_ =	shalt  }
0x3f: {  	_ =	shalt  }
0x40: {  	_ =	shalt  }
0x41: {  	_ =	shalt  }
0x42: {  	_ =	shalt  }
0x43: {  	_ =	shalt  }
0x44: {  	_ =	shalt  }
0x45: {  	_ =	shalt  }
0x46: {  	_ =	shalt  }
0x47: {  	_ =	shalt  }
0x48: {  	_ =	shalt  }
0x49: {  	_ =	shalt  }
0x4a: {  	_ =	shalt  }
0x4b: {  	_ =	shalt  }
0x4c: {  	_ =	shalt  }
0x4d: {  	_ =	shalt  }
0x4e: {  	_ =	shalt  }
0x4f: {  	_ =	shalt  }
0x50: {  	_ =	shalt  }
0x51: {  	_ =	shalt  }
0x52: {  	_ =	shalt  }
0x53: {  	_ =	shalt  }
0x54: {  	_ =	shalt  }
0x55: {  	_ =	shalt  }
0x56: {  	_ =	shalt  }
0x57: {  	_ =	shalt  }
0x58: {  	_ =	shalt  }
0x59: {  	_ =	shalt  }
0x5a: {  	_ =	shalt  }
0x5b: {  	_ =	shalt  }
0x5c: {  	_ =	shalt  }
0x5d: {  	_ =	shalt  }
0x5e: {  	_ =	shalt  }
0x5f: {  	_ =	shalt  }
0x60: {  	_ =	shalt  }
0x61: {  	_ =	shalt  }
0x62: {  	_ =	shalt  }
0x63: {  	_ =	shalt  }
0x64: {  	_ =	shalt  }
0x65: {  	_ =	shalt  }
0x66: {  	_ =	shalt  }
0x67: {  	_ =	shalt  }
0x68: {  	_ =	shalt  }
0x69: {  	_ =	shalt  }
0x6a: {  	_ =	shalt  }
0x6b: {  	_ =	shalt  }
0x6c: {  	_ =	shalt  }
0x6d: {  	_ =	shalt  }
0x6e: {  	_ =	shalt  }
0x6f: {  	_ =	shalt  }
0x70: {  	_ =	shalt  }
0x71: {  	_ =	shalt  }
0x72: {  	_ =	shalt  }
0x73: {  	_ =	shalt  }
0x74: {  	_ =	shalt  }
0x75: {  	_ =	shalt  }
0x76: {  	_ =	shalt  }
0x77: {  	_ =	shalt  }
0x78: {  	_ =	shalt  }
0x79: {  	_ =	shalt  }
0x7a: {  	_ =	shalt  }
0x7b: {  	_ =	shalt  }
0x7c: {  	_ =	shalt  }
0x7d: {  	_ =	shalt  }
0x7e: {  	_ =	shalt  }
0x7f: {  	_ =	shalt  }
0x80: {  	_ =	shalt  }
0x81: {  	_ =	shalt  }
0x82: {  	_ =	shalt  }
0x83: {  	_ =	shalt  }
0x84: {  	_ =	shalt  }
0x85: {  	_ =	shalt  }
0x86: {  	_ =	shalt  }
0x87: {  	_ =	shalt  }
.Lfunc_end0:
.L_simem_size_0:
called_computation_lowered:
.L_overlay_start_0:
0x88: {  	s2 =	sld [smem:$0x3FD9]  }
0x89: {  	s3 =	sld [smem:$0x3FFE];
	_ =	sdelay $0x1  }
0x8a: {  	s1 =	srdreg.scid  }
0x8b: {  	s0 =	sand.u32 $0x1, s1  }
0x8c: {  	s18 =	sshll.u32 s0, $0xA;
	s2 =	sadd.s32 s3, s2  }
0x8d: {  	s2 =	sadd.s32 s2, s18  }
0x8e: {  	[smem:$0x3FC6] =	sst s2  }
0x8f: {  	_ = 	snop  }
0x90: {  	s2 =	sld [smem:$0x3FC9]  }
0x91: {  	s19 =	sld [smem:$0x3FC8]  }
0x92: {  	s4 =	sld [smem:$0x3FD0];
	(tm) =	ssettm $0x1  }
0x93: {  	s5 =	sld [smem:$0x3FFB];
	_ =	sdelay $0x3  }
0x94: {  	_ =	strace s5  }
0x95: {  	s5 =	sld [smem:$0x3FFC];
	_ =	sdelay $0x3  }
0x96: {  	_ =	strace s5  }
0x97: {  	s5 =	sld [smem:$0x3FFD];
	_ =	sdelay $0x3  }
0x98: {  	_ =	strace s5  }
0x99: {  	_ =	strace $0x8FFFFFFF  }
0x9a: {  	s20 =	sld [smem:$0x3FDB];
	_ =	sdelay $0x1  }
0x9b: {  	s6 =	simm.s32 $_scs_section_size  }
0x9c: {  	s7 =	simm.s32 $_size__tile_overlayer_lowered;
	s8 =	simm.s32 $_tile_overlayer_lowered  }
0x9d: {  	s23 =	simm.s32 $0x1BFF;
	s22 =	sshll.u32 s8, $0x1;
	s5 =	sadd.s32 s6, s20  }
0x9e: {  	s9 =	simm.s32 $0x0;
	s21 =	sshll.u32 s7, $0x1;
	s7 =	sadd.s32 s22, s5  }
0x9f: {  	[timem:s9], [sflag:s23] =	dma.local [hbm:s7], s21  }
0xa0: {  	_ =	swait.ge [sflag:s23], s21  }
0xa1: {  	s6 =	ssub.s32 $0x0, s21;
	[sflag:s23] =	ssyncset.done $0x0  }
0xa2: {  	[sflag:s23] =	ssyncadd.s32 s6;
	_ =	sdelay $0x1  }
0xa3: {  	s24 =	simm.s32 $0x1B8B  }
0xa4: {  	_ =	swait.ge [sflag:s24], $0x1  }
0xa5: {  	[sflag:s24] =	ssyncset.done $0x0  }
0xa6: {  	s25 =	simm.s32 $0x1B8E;
	[sflag:s24] =	ssyncadd.s32 $0xFFFFFFFF  }
0xa7: {  	s26 =	simm.s32 $execute0_lowered;
	[smem:$0x3FD2] =	sst s25  }
0xa8: {  	s6 =	sshll.u32 s26, $0x1;
	_ =	strace $0x80000046;
	[dreg:$0x1] =	wrdreg $0xFFFFFFFF  }
0xa9: {  	s28 =	simm.s32 $_size_execute0_lowered;
	s5 =	sadd.s32 s5, s6;
	[dreg:$0x0] =	wrdreg $0x0  }
0xaa: {  	s6 =	sshll.u32 s28, $0x1;
	[dreg:$0x2] =	wrdreg s5  }
0xab: {  	[dreg:$0x3] =	wrdreg s6  }
0xac: {  	[dreg:$0x4] =	wrdreg $0xC0  }
0xad: {  	_ =	task [dreg:s9], $0x5FFFF  }
0xae: {  	[dreg:$0x1] =	wrdreg $0xFFFFFFFF  }
0xaf: {  	[dreg:$0x0] =	wrdreg $0x60  }
0xb0: {  	[dreg:$0x2] =	wrdreg s2  }
0xb1: {  	[dreg:$0x3] =	wrdreg s19  }
0xb2: {  	[dreg:$0x4] =	wrdreg s4  }
0xb3: {  	[dreg:$0x5] =	wrdreg $0x9  }
0xb4: {  	_ =	task.clear_ibuf [dreg:s9], $0x6FFFF;
	_ =	strace $0x90000046  }
0xb5: {  	s29 =	simm.s32 $0x9;
	_ =	strace $0x80000048  }
0xb6: {  	_ =	swait.ge [sflag:s29], $0x1  }
0xb7: {  	[sflag:s29] =	ssyncadd.s32 $0xFFFFFFFF  }
0xb8: {  	_ =	strace $0x90000048  }
0xb9: {  	_ =	sfence  }
0xba: {  	s30 =	sld [smem:$0x0];
	_ =	sdelay $0x2  }
0xbb: {  	s31 =	sshll.u32 s1, $0xD;
	s1 =	sshrl.u32 s1, $0x2  }
0xbc: {  	s3 =	sand.u32 $0x4000, s31;
	s1 =	sadd.s32 s1, s30  }
0xbd: {  	s0 =	sor.u32 s3, s0;
	s1 =	sshll.u32 s1, $0x11  }
0xbe: {  	s0 =	sor.u32 s1, s0  }
0xbf: {  	s0 =	sadd.s32 $0x8F2B, s0  }
0xc0: {  	[sflag:s0] =	ssyncadd.remote.s32 $0x1  }
0xc1: {  	_ =	sfence.sel $0xFFFF  }
0xc2: {  	[dreg:$0x0] =	wrdreg $0xFFFFFFFF;
	(pc) =	sbr.abs _section_cstart, $3  }
0xc3: {  	[dreg:$0x1] =	wrdreg $0xFFFFFFFF  }
0xc4: {  	_ =	task.clear_ibuf [dreg:s9], $0x2FFFF;
	_ =	strace $0x9FFFFFFF  }
0xc5: {  	(tm) =	ssettm $0x7FFFFFFF  }
tec
execute0_lowered:
.L_overlay_start_1:
0x0: {  	(tag) =	ssettag $0x1  }
0x1: {  	s4 =	stileid.u32;
	s0 =	rddreg [dreg:$0x0]  }
0x2: {  	s1 =	srdreg.scid;
	s7 =	rddreg [dreg:$0x2]  }
0x3: {  	s25 =	simm.s32 $0x80;
	s26 =	simm.s32 $0x200;
	s28 =	simm.s32 $0x2900  }
0x4: {  	s29 =	simm.s32 $0x3100;
	s30 =	simm.s32 $0x3900;
	s31 =	simm.s32 $0x4100  }
0x5: {  	s2 =	sshll.u32 s4, $0x1;
	s1 =	sand.u32 $0x1, s1;
	s4 =	sshrl.u32 s4, $0x2  }
0x6: {  	s3 =	sand.u32 $0x6, s2;
	s2 =	rddreg [dreg:$0x1];
	s6 =	smul.u32 $0x180000, s4  }
0x7: {  	s4 =	sshll.u32 s4, $0x4;
	s5 =	sor.u32 s1, s3;
	s3 =	simm.s32 $0x0  }
0x8: {  	s0 =	sadd.s32 s0, s4;
	s1 =	ssub.s32 $0x2, s1;
	s8 =	smul.u32 $0x30000, s5  }
0x9: {  	[smem:$0x7FF] =	sst s3;
	s5 =	sshll.u32 s5, $0x7;
	s23 =	sshrl.u32 s1, $0x1  }
0xa: {  	_ =	strace $0x80000047;
	[dreg:$0xc] =	wrdreg s25;
	s6 =	sadd.s32 s6, s8  }
0xb: {  	s0 =	sadd.s32 s5, s0;
	[dreg:$0xd] =	wrdreg s26;
	s16 =	sshrl.u32 s6, $0x3  }
0xc: {  	s1 =	ssub.s32 s1, s23;
	[dreg:$0x4] =	wrdreg s0;
	s4 =	sadd.s32 s7, s16  }
0xd: {  	s5 =	sadd.s32 $0x100, s2;
	s17 =	sadd.s32 $0xC00, s4;
	[dreg:$0xe] =	wrdreg s4  }
0xe: {  	s26 =	simm.s32 $0x2100;
	s18 =	sadd.s32 $0x1800, s4;
	[dreg:$0x5] =	wrdreg s17  }
0xf: {  	s23 =	simm.s32 $0x8100;
	s19 =	sadd.s32 $0x2400, s4;
	[dreg:$0x6] =	wrdreg s18  }
0x10: {  	s10 =	smax.u32 s1, $0x1;
	s20 =	sadd.s32 $0x3000, s4;
	[dreg:$0x7] =	wrdreg s19  }
0x11: {  	s1 =	simm.s32 $0x12100;
	s21 =	sadd.s32 $0x3C00, s4;
	[dreg:$0x8] =	wrdreg s20  }
0x12: {  	s6 =	sadd.s32 $0x200, s2;
	s22 =	sadd.s32 $0x4800, s4;
	[dreg:$0x9] =	wrdreg s21  }
0x13: {  	v2 =	vlaneseq.u32;
	s16 =	simm.s32 $0xA900;
	s24 =	sadd.s32 $0x5400, s4;
	[dreg:$0xa] =	wrdreg s22  }
0x14: {  	vm0 =	vmmov $0xffff;
	v1 =	vshrl.u32 v2, $0x3;
	[dreg:$0xb] =	wrdreg s24;
	s20 =	simm.s32 $0x7100;
	s21 =	simm.s32 $0x9900  }
0x15: {  	v0 =	vand.u32 $0x7, v2;
	v2 =	vor.u32 $0x8, v2;
	v1 =	vmul.u32 $0x8, v1;
	s17 =	simm.s32 $0xB100;
	s18 =	simm.s32 $0xB900;
	s19 =	simm.s32 $0xC100  }
.LBB2_1:
0x16: {  	s22 =	rddreg [dreg:$0x4]  }
0x17: {  	s24 =	rddreg [dreg:$0xc]  }
0x18: {  	s25 =	rddreg [dreg:$0xd];
	s0 =	simm.s32 $0x9  }
0x19: {  	[tilespmem:s3], [sflag:$0x9] =	stream.strided.gather [hbm4b:s22+s24], $0x100, s25, s24, $0x38;
	[tilespmem:$0x18100] =	vst v63  }
0x1a: {  	_ =	swait.ge [sflag:s0], $0x100  }
0x1b: {  	[sflag:s0] =	ssyncset.done $0x0  }
0x1c: {  	[sflag:s0] =	ssyncadd.s32 $0xFFFFFF00  }
0x1d: {  	v3 =	vld [tilespmem:$0x0];
	_ =	sdelay $0x4  }
0x1e: {  	v4 =	vshrl.u32 v3, $0x3  }
0x1f: {  	v4 =	vmul.u32 $0x30, v4  }
0x20: {  	v3 =	vand.u32 $0x7, v3  }
0x21: {  	v3 =	vor.u32 v3, v4  }
0x22: {  	v4 =	vperm.xlane v3, v0;
	_ =	sdelay $0x1  }
0x23: {  	v4 =	vadd.s32 v1, v4;
	_ =	sdelay $0x3  }
0x24: {  	s13 =	simm.s32 $0x100;
	v3 =	vperm.xlane v3, v2  }
0x25: {  	[tilespmem:s13], [sflag:$0x1] =	stream.indirect_vreg.gather [hbm4b:s2+s3], $0x80, v4, vm0, $0xb8;
	[tilespmem:$0x18100] =	vst v63  }
0x26: {  	s22 =	simm.s32 $0x900;
	v3 =	vadd.s32 v1, v3  }
0x27: {  	[tilespmem:s22], [sflag:$0x1] =	stream.indirect_vreg.gather [hbm4b:s5+s3], $0x80, v4, vm0, $0xb8;
	[tilespmem:$0x18100] =	vst v63  }
0x28: {  	s24 =	simm.s32 $0x1100  }
0x29: {  	[tilespmem:s24], [sflag:$0x1] =	stream.indirect_vreg.gather [hbm4b:s6+s3], $0x80, v4, vm0, $0xb8;
	[tilespmem:$0x18100] =	vst v63  }
0x2a: {  	s25 =	simm.s32 $0x1900  }
0x2b: {  	[tilespmem:s25], [sflag:$0x1] =	stream.indirect_vreg.gather [hbm4b:s2+s3], $0x80, v3, vm0, $0xb8;
	[tilespmem:$0x18100] =	vst v63  }
0x2c: {  	_ = 	snop  }
0x2d: {  	[tilespmem:s26], [sflag:$0x1] =	stream.indirect_vreg.gather [hbm4b:s5+s3], $0x80, v3, vm0, $0xb8;
	[tilespmem:$0x18100] =	vst v63  }
0x2e: {  	_ = 	snop  }
0x2f: {  	[tilespmem:s28], [sflag:$0x1] =	stream.indirect_vreg.gather [hbm4b:s6+s3], $0x80, v3, vm0, $0xb8;
	[tilespmem:$0x18100] =	vst v63  }
0x30: {  	v3 =	vld [tilespmem:$0x10];
	_ =	sdelay $0x4  }
0x31: {  	v49 =	vshrl.u32 v3, $0x3  }
0x32: {  	v4 =	vmul.u32 $0x30, v49  }
0x33: {  	v3 =	vand.u32 $0x7, v3  }
0x34: {  	v3 =	vor.u32 v3, v4  }
0x35: {  	v4 =	vperm.xlane v3, v0;
	_ =	sdelay $0x1  }
0x36: {  	v4 =	vadd.s32 v1, v4;
	_ =	sdelay $0x3  }
0x37: {  	v3 =	vperm.xlane v3, v2  }
0x38: {  	[tilespmem:s29], [sflag:$0x1] =	stream.indirect_vreg.gather [hbm4b:s2+s3], $0x80, v4, vm0, $0xb8;
	[tilespmem:$0x18100] =	vst v63  }
0x39: {  	v3 =	vadd.s32 v1, v3  }
0x3a: {  	[tilespmem:s30], [sflag:$0x1] =	stream.indirect_vreg.gather [hbm4b:s5+s3], $0x80, v4, vm0, $0xb8;
	[tilespmem:$0x18100] =	vst v63  }
0x3b: {  	_ = 	snop  }
0x3c: {  	[tilespmem:s31], [sflag:$0x1] =	stream.indirect_vreg.gather [hbm4b:s6+s3], $0x80, v4, vm0, $0xb8;
	[tilespmem:$0x18100] =	vst v63  }
0x3d: {  	s9 =	simm.s32 $0x4900  }
0x3e: {  	[tilespmem:s9], [sflag:$0x1] =	stream.indirect_vreg.gather [hbm4b:s2+s3], $0x80, v3, vm0, $0xb8;
	[tilespmem:$0x18100] =	vst v63  }
0x3f: {  	s4 =	simm.s32 $0x5100  }
0x40: {  	[tilespmem:s4], [sflag:$0x1] =	stream.indirect_vreg.gather [hbm4b:s5+s3], $0x80, v3, vm0, $0xb8;
	[tilespmem:$0x18100] =	vst v63  }
0x41: {  	s11 =	simm.s32 $0x5900  }
0x42: {  	[tilespmem:s11], [sflag:$0x1] =	stream.indirect_vreg.gather [hbm4b:s6+s3], $0x80, v3, vm0, $0xb8;
	[tilespmem:$0x18100] =	vst v63  }
0x43: {  	v3 =	vld [tilespmem:$0x20];
	_ =	sdelay $0x4  }
0x44: {  	v50 =	vshrl.u32 v3, $0x3  }
0x45: {  	v4 =	vmul.u32 $0x30, v50  }
0x46: {  	v3 =	vand.u32 $0x7, v3  }
0x47: {  	v3 =	vor.u32 v3, v4  }
0x48: {  	v4 =	vperm.xlane v3, v0;
	_ =	sdelay $0x1  }
0x49: {  	v4 =	vadd.s32 v1, v4;
	_ =	sdelay $0x3  }
0x4a: {  	s14 =	simm.s32 $0x6100;
	v3 =	vperm.xlane v3, v2  }
0x4b: {  	[tilespmem:s14], [sflag:$0x2] =	stream.indirect_vreg.gather [hbm4b:s2+s3], $0x80, v4, vm0, $0xb8;
	[tilespmem:$0x18100] =	vst v63  }
0x4c: {  	s12 =	simm.s32 $0x6900;
	v3 =	vadd.s32 v1, v3  }
0x4d: {  	[tilespmem:s12], [sflag:$0x2] =	stream.indirect_vreg.gather [hbm4b:s5+s3], $0x80, v4, vm0, $0xb8;
	[tilespmem:$0x18100] =	vst v63  }
0x4e: {  	_ = 	snop  }
0x4f: {  	[tilespmem:s20], [sflag:$0x2] =	stream.indirect_vreg.gather [hbm4b:s6+s3], $0x80, v4, vm0, $0xb8;
	[tilespmem:$0x18100] =	vst v63  }
0x50: {  	s15 =	simm.s32 $0x7900  }
0x51: {  	[tilespmem:s15], [sflag:$0x2] =	stream.indirect_vreg.gather [hbm4b:s2+s3], $0x80, v3, vm0, $0xb8;
	[tilespmem:$0x18100] =	vst v63  }
0x52: {  	_ = 	snop  }
0x53: {  	[tilespmem:s23], [sflag:$0x2] =	stream.indirect_vreg.gather [hbm4b:s5+s3], $0x80, v3, vm0, $0xb8;
	[tilespmem:$0x18100] =	vst v63  }
0x54: {  	s13 =	simm.s32 $0x8900  }
0x55: {  	[tilespmem:s13], [sflag:$0x2] =	stream.indirect_vreg.gather [hbm4b:s6+s3], $0x80, v3, vm0, $0xb8;
	[tilespmem:$0x18100] =	vst v63  }
0x56: {  	v3 =	vld [tilespmem:$0x30];
	_ =	sdelay $0x4  }
0x57: {  	v51 =	vshrl.u32 v3, $0x3  }
0x58: {  	v4 =	vmul.u32 $0x30, v51  }
0x59: {  	v3 =	vand.u32 $0x7, v3  }
0x5a: {  	v3 =	vor.u32 v3, v4  }
0x5b: {  	v4 =	vperm.xlane v3, v0;
	_ =	sdelay $0x1  }
0x5c: {  	v4 =	vadd.s32 v1, v4;
	_ =	sdelay $0x3  }
0x5d: {  	s14 =	simm.s32 $0x9100;
	v3 =	vperm.xlane v3, v2  }
0x5e: {  	[tilespmem:s14], [sflag:$0x2] =	stream.indirect_vreg.gather [hbm4b:s2+s3], $0x80, v4, vm0, $0xb8;
	[tilespmem:$0x18100] =	vst v63  }
0x5f: {  	v3 =	vadd.s32 v1, v3  }
0x60: {  	[tilespmem:s21], [sflag:$0x2] =	stream.indirect_vreg.gather [hbm4b:s5+s3], $0x80, v4, vm0, $0xb8;
	[tilespmem:$0x18100] =	vst v63  }
0x61: {  	s15 =	simm.s32 $0xA100  }
0x62: {  	[tilespmem:s15], [sflag:$0x2] =	stream.indirect_vreg.gather [hbm4b:s6+s3], $0x80, v4, vm0, $0xb8;
	[tilespmem:$0x18100] =	vst v63  }
0x63: {  	_ = 	snop  }
0x64: {  	[tilespmem:s16], [sflag:$0x2] =	stream.indirect_vreg.gather [hbm4b:s2+s3], $0x80, v3, vm0, $0xb8;
	[tilespmem:$0x18100] =	vst v63  }
0x65: {  	_ = 	snop  }
0x66: {  	[tilespmem:s17], [sflag:$0x2] =	stream.indirect_vreg.gather [hbm4b:s5+s3], $0x80, v3, vm0, $0xb8;
	[tilespmem:$0x18100] =	vst v63  }
0x67: {  	_ = 	snop  }
0x68: {  	[tilespmem:s18], [sflag:$0x2] =	stream.indirect_vreg.gather [hbm4b:s6+s3], $0x80, v3, vm0, $0xb8;
	[tilespmem:$0x18100] =	vst v63  }
0x69: {  	v3 =	vld [tilespmem:$0x40];
	_ =	sdelay $0x4  }
0x6a: {  	v52 =	vshrl.u32 v3, $0x3  }
0x6b: {  	v4 =	vmul.u32 $0x30, v52  }
0x6c: {  	v3 =	vand.u32 $0x7, v3  }
0x6d: {  	v3 =	vor.u32 v3, v4  }
0x6e: {  	v4 =	vperm.xlane v3, v0;
	_ =	sdelay $0x1  }
0x6f: {  	v4 =	vadd.s32 v1, v4;
	_ =	sdelay $0x3  }
0x70: {  	v3 =	vperm.xlane v3, v2  }
0x71: {  	[tilespmem:s19], [sflag:$0x3] =	stream.indirect_vreg.gather [hbm4b:s2+s3], $0x80, v4, vm0, $0xb8;
	[tilespmem:$0x18100] =	vst v63  }
0x72: {  	s7 =	simm.s32 $0xC900;
	v3 =	vadd.s32 v1, v3  }
0x73: {  	[tilespmem:s7], [sflag:$0x3] =	stream.indirect_vreg.gather [hbm4b:s5+s3], $0x80, v4, vm0, $0xb8;
	[tilespmem:$0x18100] =	vst v63  }
0x74: {  	s8 =	simm.s32 $0xD100  }
0x75: {  	[tilespmem:s8], [sflag:$0x3] =	stream.indirect_vreg.gather [hbm4b:s6+s3], $0x80, v4, vm0, $0xb8;
	[tilespmem:$0x18100] =	vst v63  }
0x76: {  	s7 =	simm.s32 $0xD900  }
0x77: {  	[tilespmem:s7], [sflag:$0x3] =	stream.indirect_vreg.gather [hbm4b:s2+s3], $0x80, v3, vm0, $0xb8;
	[tilespmem:$0x18100] =	vst v63  }
0x78: {  	s8 =	simm.s32 $0xE100  }
0x79: {  	[tilespmem:s8], [sflag:$0x3] =	stream.indirect_vreg.gather [hbm4b:s5+s3], $0x80, v3, vm0, $0xb8;
	[tilespmem:$0x18100] =	vst v63  }
0x7a: {  	s7 =	simm.s32 $0xE900  }
0x7b: {  	[tilespmem:s7], [sflag:$0x3] =	stream.indirect_vreg.gather [hbm4b:s6+s3], $0x80, v3, vm0, $0xb8;
	[tilespmem:$0x18100] =	vst v63  }
0x7c: {  	v3 =	vld [tilespmem:$0x50];
	_ =	sdelay $0x4  }
0x7d: {  	v53 =	vshrl.u32 v3, $0x3  }
0x7e: {  	v4 =	vmul.u32 $0x30, v53  }
0x7f: {  	v3 =	vand.u32 $0x7, v3  }
0x80: {  	v3 =	vor.u32 v3, v4  }
0x81: {  	v4 =	vperm.xlane v3, v0;
	_ =	sdelay $0x1  }
0x82: {  	v4 =	vadd.s32 v1, v4;
	_ =	sdelay $0x3  }
0x83: {  	s8 =	simm.s32 $0xF100;
	v3 =	vperm.xlane v3, v2  }
0x84: {  	[tilespmem:s8], [sflag:$0x3] =	stream.indirect_vreg.gather [hbm4b:s2+s3], $0x80, v4, vm0, $0xb8;
	[tilespmem:$0x18100] =	vst v63  }
0x85: {  	s7 =	simm.s32 $0xF900;
	v3 =	vadd.s32 v1, v3  }
0x86: {  	[tilespmem:s7], [sflag:$0x3] =	stream.indirect_vreg.gather [hbm4b:s5+s3], $0x80, v4, vm0, $0xb8;
	[tilespmem:$0x18100] =	vst v63  }
0x87: {  	s8 =	simm.s32 $0x10100  }
0x88: {  	[tilespmem:s8], [sflag:$0x3] =	stream.indirect_vreg.gather [hbm4b:s6+s3], $0x80, v4, vm0, $0xb8;
	[tilespmem:$0x18100] =	vst v63  }
0x89: {  	s7 =	simm.s32 $0x10900  }
0x8a: {  	[tilespmem:s7], [sflag:$0x3] =	stream.indirect_vreg.gather [hbm4b:s2+s3], $0x80, v3, vm0, $0xb8;
	[tilespmem:$0x18100] =	vst v63  }
0x8b: {  	s8 =	simm.s32 $0x11100  }
0x8c: {  	[tilespmem:s8], [sflag:$0x3] =	stream.indirect_vreg.gather [hbm4b:s5+s3], $0x80, v3, vm0, $0xb8;
	[tilespmem:$0x18100] =	vst v63  }
0x8d: {  	s7 =	simm.s32 $0x11900  }
0x8e: {  	[tilespmem:s7], [sflag:$0x3] =	stream.indirect_vreg.gather [hbm4b:s6+s3], $0x80, v3, vm0, $0xb8;
	[tilespmem:$0x18100] =	vst v63  }
0x8f: {  	v3 =	vld [tilespmem:$0x60];
	_ =	sdelay $0x4  }
0x90: {  	v54 =	vshrl.u32 v3, $0x3  }
0x91: {  	v4 =	vmul.u32 $0x30, v54  }
0x92: {  	v3 =	vand.u32 $0x7, v3  }
0x93: {  	v3 =	vor.u32 v3, v4  }
0x94: {  	v4 =	vperm.xlane v3, v0;
	_ =	sdelay $0x1  }
0x95: {  	v4 =	vadd.s32 v1, v4;
	_ =	sdelay $0x3  }
0x96: {  	v3 =	vperm.xlane v3, v2  }
0x97: {  	[tilespmem:s1], [sflag:$0x4] =	stream.indirect_vreg.gather [hbm4b:s2+s3], $0x80, v4, vm0, $0xb8;
	[tilespmem:$0x18100] =	vst v63  }
0x98: {  	s8 =	simm.s32 $0x12900;
	v3 =	vadd.s32 v1, v3  }
0x99: {  	[tilespmem:s8], [sflag:$0x4] =	stream.indirect_vreg.gather [hbm4b:s5+s3], $0x80, v4, vm0, $0xb8;
	[tilespmem:$0x18100] =	vst v63  }
0x9a: {  	s7 =	simm.s32 $0x13100  }
0x9b: {  	[tilespmem:s7], [sflag:$0x4] =	stream.indirect_vreg.gather [hbm4b:s6+s3], $0x80, v4, vm0, $0xb8;
	[tilespmem:$0x18100] =	vst v63  }
0x9c: {  	s8 =	simm.s32 $0x13900  }
0x9d: {  	[tilespmem:s8], [sflag:$0x4] =	stream.indirect_vreg.gather [hbm4b:s2+s3], $0x80, v3, vm0, $0xb8;
	[tilespmem:$0x18100] =	vst v63  }
0x9e: {  	s7 =	simm.s32 $0x14100  }
0x9f: {  	[tilespmem:s7], [sflag:$0x4] =	stream.indirect_vreg.gather [hbm4b:s5+s3], $0x80, v3, vm0, $0xb8;
	[tilespmem:$0x18100] =	vst v63  }
0xa0: {  	s8 =	simm.s32 $0x14900  }
0xa1: {  	[tilespmem:s8], [sflag:$0x4] =	stream.indirect_vreg.gather [hbm4b:s6+s3], $0x80, v3, vm0, $0xb8;
	[tilespmem:$0x18100] =	vst v63  }
0xa2: {  	v3 =	vld [tilespmem:$0x70];
	_ =	sdelay $0x4  }
0xa3: {  	v55 =	vshrl.u32 v3, $0x3  }
0xa4: {  	v4 =	vmul.u32 $0x30, v55  }
0xa5: {  	v3 =	vand.u32 $0x7, v3  }
0xa6: {  	v3 =	vor.u32 v3, v4  }
0xa7: {  	v4 =	vperm.xlane v3, v0;
	_ =	sdelay $0x1  }
0xa8: {  	v4 =	vadd.s32 v1, v4;
	_ =	sdelay $0x3  }
0xa9: {  	s7 =	simm.s32 $0x15100;
	v3 =	vperm.xlane v3, v2  }
0xaa: {  	[tilespmem:s7], [sflag:$0x4] =	stream.indirect_vreg.gather [hbm4b:s2+s3], $0x80, v4, vm0, $0xb8;
	[tilespmem:$0x18100] =	vst v63  }
0xab: {  	s8 =	simm.s32 $0x15900;
	v3 =	vadd.s32 v1, v3  }
0xac: {  	[tilespmem:s8], [sflag:$0x4] =	stream.indirect_vreg.gather [hbm4b:s5+s3], $0x80, v4, vm0, $0xb8;
	[tilespmem:$0x18100] =	vst v63  }
0xad: {  	s7 =	simm.s32 $0x16100  }
0xae: {  	[tilespmem:s7], [sflag:$0x4] =	stream.indirect_vreg.gather [hbm4b:s6+s3], $0x80, v4, vm0, $0xb8;
	[tilespmem:$0x18100] =	vst v63  }
0xaf: {  	s8 =	simm.s32 $0x16900  }
0xb0: {  	[tilespmem:s8], [sflag:$0x4] =	stream.indirect_vreg.gather [hbm4b:s2+s3], $0x80, v3, vm0, $0xb8;
	[tilespmem:$0x18100] =	vst v63  }
0xb1: {  	s7 =	simm.s32 $0x17100  }
0xb2: {  	[tilespmem:s7], [sflag:$0x4] =	stream.indirect_vreg.gather [hbm4b:s5+s3], $0x80, v3, vm0, $0xb8;
	[tilespmem:$0x18100] =	vst v63  }
0xb3: {  	s0 =	simm.s32 $0x1;
	s8 =	simm.s32 $0x17900  }
0xb4: {  	[tilespmem:s8], [sflag:$0x4] =	stream.indirect_vreg.gather [hbm4b:s6+s3], $0x80, v3, vm0, $0xb8;
	[tilespmem:$0x18100] =	vst v63  }
0xb5: {  	_ =	swait.ge [sflag:s0], $0x6000  }
0xb6: {  	[sflag:s0] =	ssyncset.done $0x0  }
0xb7: {  	s7 =	simm.s32 $0x100;
	s8 =	rddreg [dreg:$0xe];
	[sflag:s0] =	ssyncadd.s32 $0xFFFFA000  }
0xb8: {  	[hbm4b:s8+s3] =	stream.linear.scatter [tilespmem:s7], [sflag:$0x5], $0x6000, $0x38;
	[tilespmem:$0x18100] =	vst v63  }
0xb9: {  	s8 =	simm.s32 $0x5  }
0xba: {  	_ =	swait.ge [sflag:s8], $0x6000  }
0xbb: {  	[sflag:s8] =	ssyncset.done $0x0  }
0xbc: {  	[sflag:s8] =	ssyncadd.s32 $0xFFFFA000  }
0xbd: {  	v3 =	vld [tilespmem:$0x80];
	_ =	sdelay $0x4  }
0xbe: {  	v56 =	vshrl.u32 v3, $0x3  }
0xbf: {  	v4 =	vmul.u32 $0x30, v56  }
0xc0: {  	v3 =	vand.u32 $0x7, v3  }
0xc1: {  	v3 =	vor.u32 v3, v4  }
0xc2: {  	v4 =	vperm.xlane v3, v0;
	_ =	sdelay $0x1  }
0xc3: {  	v4 =	vadd.s32 v1, v4;
	_ =	sdelay $0x3  }
0xc4: {  	v3 =	vperm.xlane v3, v2  }
0xc5: {  	[tilespmem:s7], [sflag:$0x1] =	stream.indirect_vreg.gather [hbm4b:s2+s3], $0x80, v4, vm0, $0xb8;
	[tilespmem:$0x18100] =	vst v63  }
0xc6: {  	v3 =	vadd.s32 v1, v3  }
0xc7: {  	[tilespmem:s22], [sflag:$0x1] =	stream.indirect_vreg.gather [hbm4b:s5+s3], $0x80, v4, vm0, $0xb8;
	[tilespmem:$0x18100] =	vst v63  }
0xc8: {  	_ = 	snop  }
0xc9: {  	[tilespmem:s24], [sflag:$0x1] =	stream.indirect_vreg.gather [hbm4b:s6+s3], $0x80, v4, vm0, $0xb8;
	[tilespmem:$0x18100] =	vst v63  }
0xca: {  	_ = 	snop  }
0xcb: {  	[tilespmem:s25], [sflag:$0x1] =	stream.indirect_vreg.gather [hbm4b:s2+s3], $0x80, v3, vm0, $0xb8;
	[tilespmem:$0x18100] =	vst v63  }
0xcc: {  	_ = 	snop  }
0xcd: {  	[tilespmem:s26], [sflag:$0x1] =	stream.indirect_vreg.gather [hbm4b:s5+s3], $0x80, v3, vm0, $0xb8;
	[tilespmem:$0x18100] =	vst v63  }
0xce: {  	_ = 	snop  }
0xcf: {  	[tilespmem:s28], [sflag:$0x1] =	stream.indirect_vreg.gather [hbm4b:s6+s3], $0x80, v3, vm0, $0xb8;
	[tilespmem:$0x18100] =	vst v63  }
0xd0: {  	v3 =	vld [tilespmem:$0x90];
	_ =	sdelay $0x4  }
0xd1: {  	v57 =	vshrl.u32 v3, $0x3  }
0xd2: {  	v4 =	vmul.u32 $0x30, v57  }
0xd3: {  	v3 =	vand.u32 $0x7, v3  }
0xd4: {  	v3 =	vor.u32 v3, v4  }
0xd5: {  	v4 =	vperm.xlane v3, v0;
	_ =	sdelay $0x1  }
0xd6: {  	v4 =	vadd.s32 v1, v4;
	_ =	sdelay $0x3  }
0xd7: {  	v3 =	vperm.xlane v3, v2  }
0xd8: {  	[tilespmem:s29], [sflag:$0x1] =	stream.indirect_vreg.gather [hbm4b:s2+s3], $0x80, v4, vm0, $0xb8;
	[tilespmem:$0x18100] =	vst v63  }
0xd9: {  	v3 =	vadd.s32 v1, v3  }
0xda: {  	[tilespmem:s30], [sflag:$0x1] =	stream.indirect_vreg.gather [hbm4b:s5+s3], $0x80, v4, vm0, $0xb8;
	[tilespmem:$0x18100] =	vst v63  }
0xdb: {  	_ = 	snop  }
0xdc: {  	[tilespmem:s31], [sflag:$0x1] =	stream.indirect_vreg.gather [hbm4b:s6+s3], $0x80, v4, vm0, $0xb8;
	[tilespmem:$0x18100] =	vst v63  }
0xdd: {  	_ = 	snop  }
0xde: {  	[tilespmem:s9], [sflag:$0x1] =	stream.indirect_vreg.gather [hbm4b:s2+s3], $0x80, v3, vm0, $0xb8;
	[tilespmem:$0x18100] =	vst v63  }
0xdf: {  	_ = 	snop  }
0xe0: {  	[tilespmem:s4], [sflag:$0x1] =	stream.indirect_vreg.gather [hbm4b:s5+s3], $0x80, v3, vm0, $0xb8;
	[tilespmem:$0x18100] =	vst v63  }
0xe1: {  	s4 =	simm.s32 $0x2  }
0xe2: {  	[tilespmem:s11], [sflag:$0x1] =	stream.indirect_vreg.gather [hbm4b:s6+s3], $0x80, v3, vm0, $0xb8;
	[tilespmem:$0x18100] =	vst v63  }
0xe3: {  	_ =	swait.ge [sflag:s4], $0x6000  }
0xe4: {  	[sflag:s4] =	ssyncset.done $0x0  }
0xe5: {  	s11 =	simm.s32 $0x6100;
	s9 =	rddreg [dreg:$0x5];
	[sflag:s4] =	ssyncadd.s32 $0xFFFFA000  }
0xe6: {  	[hbm4b:s9+s3] =	stream.linear.scatter [tilespmem:s11], [sflag:$0x6], $0x6000, $0x38;
	[tilespmem:$0x18100] =	vst v63  }
0xe7: {  	s9 =	simm.s32 $0x6  }
0xe8: {  	_ =	swait.ge [sflag:s9], $0x6000  }
0xe9: {  	[sflag:s9] =	ssyncset.done $0x0  }
0xea: {  	[sflag:s9] =	ssyncadd.s32 $0xFFFFA000  }
0xeb: {  	v3 =	vld [tilespmem:$0xA0];
	_ =	sdelay $0x4  }
0xec: {  	v58 =	vshrl.u32 v3, $0x3  }
0xed: {  	v4 =	vmul.u32 $0x30, v58  }
0xee: {  	v3 =	vand.u32 $0x7, v3  }
0xef: {  	v3 =	vor.u32 v3, v4  }
0xf0: {  	v4 =	vperm.xlane v3, v0;
	_ =	sdelay $0x1  }
0xf1: {  	v4 =	vadd.s32 v1, v4;
	_ =	sdelay $0x3  }
0xf2: {  	v3 =	vperm.xlane v3, v2  }
0xf3: {  	[tilespmem:s11], [sflag:$0x2] =	stream.indirect_vreg.gather [hbm4b:s2+s3], $0x80, v4, vm0, $0xb8;
	[tilespmem:$0x18100] =	vst v63  }
0xf4: {  	v3 =	vadd.s32 v1, v3  }
0xf5: {  	[tilespmem:s12], [sflag:$0x2] =	stream.indirect_vreg.gather [hbm4b:s5+s3], $0x80, v4, vm0, $0xb8;
	[tilespmem:$0x18100] =	vst v63  }
0xf6: {  	_ = 	snop  }
0xf7: {  	[tilespmem:s20], [sflag:$0x2] =	stream.indirect_vreg.gather [hbm4b:s6+s3], $0x80, v4, vm0, $0xb8;
	[tilespmem:$0x18100] =	vst v63  }
0xf8: {  	s12 =	simm.s32 $0x7900  }
0xf9: {  	[tilespmem:s12], [sflag:$0x2] =	stream.indirect_vreg.gather [hbm4b:s2+s3], $0x80, v3, vm0, $0xb8;
	[tilespmem:$0x18100] =	vst v63  }
0xfa: {  	_ = 	snop  }
0xfb: {  	[tilespmem:s23], [sflag:$0x2] =	stream.indirect_vreg.gather [hbm4b:s5+s3], $0x80, v3, vm0, $0xb8;
	[tilespmem:$0x18100] =	vst v63  }
0xfc: {  	_ = 	snop  }
0xfd: {  	[tilespmem:s13], [sflag:$0x2] =	stream.indirect_vreg.gather [hbm4b:s6+s3], $0x80, v3, vm0, $0xb8;
	[tilespmem:$0x18100] =	vst v63  }
0xfe: {  	v3 =	vld [tilespmem:$0xB0];
	_ =	sdelay $0x4  }
0xff: {  	v59 =	vshrl.u32 v3, $0x3  }
0x100: {  	v4 =	vmul.u32 $0x30, v59  }
0x101: {  	v3 =	vand.u32 $0x7, v3  }
0x102: {  	v3 =	vor.u32 v3, v4  }
0x103: {  	v4 =	vperm.xlane v3, v0;
	_ =	sdelay $0x1  }
0x104: {  	v4 =	vadd.s32 v1, v4;
	_ =	sdelay $0x3  }
0x105: {  	v3 =	vperm.xlane v3, v2  }
0x106: {  	[tilespmem:s14], [sflag:$0x2] =	stream.indirect_vreg.gather [hbm4b:s2+s3], $0x80, v4, vm0, $0xb8;
	[tilespmem:$0x18100] =	vst v63  }
0x107: {  	v3 =	vadd.s32 v1, v3  }
0x108: {  	[tilespmem:s21], [sflag:$0x2] =	stream.indirect_vreg.gather [hbm4b:s5+s3], $0x80, v4, vm0, $0xb8;
	[tilespmem:$0x18100] =	vst v63  }
0x109: {  	_ = 	snop  }
0x10a: {  	[tilespmem:s15], [sflag:$0x2] =	stream.indirect_vreg.gather [hbm4b:s6+s3], $0x80, v4, vm0, $0xb8;
	[tilespmem:$0x18100] =	vst v63  }
0x10b: {  	_ = 	snop  }
0x10c: {  	[tilespmem:s16], [sflag:$0x2] =	stream.indirect_vreg.gather [hbm4b:s2+s3], $0x80, v3, vm0, $0xb8;
	[tilespmem:$0x18100] =	vst v63  }
0x10d: {  	_ = 	snop  }
0x10e: {  	[tilespmem:s17], [sflag:$0x2] =	stream.indirect_vreg.gather [hbm4b:s5+s3], $0x80, v3, vm0, $0xb8;
	[tilespmem:$0x18100] =	vst v63  }
0x10f: {  	s11 =	simm.s32 $0x3  }
0x110: {  	[tilespmem:s18], [sflag:$0x2] =	stream.indirect_vreg.gather [hbm4b:s6+s3], $0x80, v3, vm0, $0xb8;
	[tilespmem:$0x18100] =	vst v63  }
0x111: {  	_ =	swait.ge [sflag:s11], $0x6000  }
0x112: {  	[sflag:s11] =	ssyncset.done $0x0  }
0x113: {  	s12 =	simm.s32 $0x7;
	s15 =	rddreg [dreg:$0x6];
	[sflag:s11] =	ssyncadd.s32 $0xFFFFA000  }
0x114: {  	[hbm4b:s15+s3] =	stream.linear.scatter [tilespmem:s19], [sflag:$0x7], $0x6000, $0x38;
	[tilespmem:$0x18100] =	vst v63  }
0x115: {  	_ =	swait.ge [sflag:s12], $0x6000  }
0x116: {  	[sflag:s12] =	ssyncset.done $0x0  }
0x117: {  	[sflag:s12] =	ssyncadd.s32 $0xFFFFA000  }
0x118: {  	v3 =	vld [tilespmem:$0xC0];
	_ =	sdelay $0x4  }
0x119: {  	v60 =	vshrl.u32 v3, $0x3  }
0x11a: {  	v4 =	vmul.u32 $0x30, v60  }
0x11b: {  	v3 =	vand.u32 $0x7, v3  }
0x11c: {  	v3 =	vor.u32 v3, v4  }
0x11d: {  	v4 =	vperm.xlane v3, v0;
	_ =	sdelay $0x1  }
0x11e: {  	v4 =	vadd.s32 v1, v4;
	_ =	sdelay $0x3  }
0x11f: {  	v3 =	vperm.xlane v3, v2  }
0x120: {  	[tilespmem:s19], [sflag:$0x3] =	stream.indirect_vreg.gather [hbm4b:s2+s3], $0x80, v4, vm0, $0xb8;
	[tilespmem:$0x18100] =	vst v63  }
0x121: {  	s22 =	simm.s32 $0xC900;
	v3 =	vadd.s32 v1, v3  }
0x122: {  	[tilespmem:s22], [sflag:$0x3] =	stream.indirect_vreg.gather [hbm4b:s5+s3], $0x80, v4, vm0, $0xb8;
	[tilespmem:$0x18100] =	vst v63  }
0x123: {  	s24 =	simm.s32 $0xD100  }
0x124: {  	[tilespmem:s24], [sflag:$0x3] =	stream.indirect_vreg.gather [hbm4b:s6+s3], $0x80, v4, vm0, $0xb8;
	[tilespmem:$0x18100] =	vst v63  }
0x125: {  	s25 =	simm.s32 $0xD900  }
0x126: {  	[tilespmem:s25], [sflag:$0x3] =	stream.indirect_vreg.gather [hbm4b:s2+s3], $0x80, v3, vm0, $0xb8;
	[tilespmem:$0x18100] =	vst v63  }
0x127: {  	s14 =	simm.s32 $0xE100  }
0x128: {  	[tilespmem:s14], [sflag:$0x3] =	stream.indirect_vreg.gather [hbm4b:s5+s3], $0x80, v3, vm0, $0xb8;
	[tilespmem:$0x18100] =	vst v63  }
0x129: {  	s15 =	simm.s32 $0xE900  }
0x12a: {  	[tilespmem:s15], [sflag:$0x3] =	stream.indirect_vreg.gather [hbm4b:s6+s3], $0x80, v3, vm0, $0xb8;
	[tilespmem:$0x18100] =	vst v63  }
0x12b: {  	v3 =	vld [tilespmem:$0xD0];
	_ =	sdelay $0x4  }
0x12c: {  	v61 =	vshrl.u32 v3, $0x3  }
0x12d: {  	v4 =	vmul.u32 $0x30, v61  }
0x12e: {  	v3 =	vand.u32 $0x7, v3  }
0x12f: {  	v3 =	vor.u32 v3, v4  }
0x130: {  	v4 =	vperm.xlane v3, v0;
	_ =	sdelay $0x1  }
0x131: {  	v4 =	vadd.s32 v1, v4;
	_ =	sdelay $0x3  }
0x132: {  	s22 =	simm.s32 $0xF100;
	v3 =	vperm.xlane v3, v2  }
0x133: {  	[tilespmem:s22], [sflag:$0x3] =	stream.indirect_vreg.gather [hbm4b:s2+s3], $0x80, v4, vm0, $0xb8;
	[tilespmem:$0x18100] =	vst v63  }
0x134: {  	s24 =	simm.s32 $0xF900;
	v3 =	vadd.s32 v1, v3  }
0x135: {  	[tilespmem:s24], [sflag:$0x3] =	stream.indirect_vreg.gather [hbm4b:s5+s3], $0x80, v4, vm0, $0xb8;
	[tilespmem:$0x18100] =	vst v63  }
0x136: {  	s25 =	simm.s32 $0x10100  }
0x137: {  	[tilespmem:s25], [sflag:$0x3] =	stream.indirect_vreg.gather [hbm4b:s6+s3], $0x80, v4, vm0, $0xb8;
	[tilespmem:$0x18100] =	vst v63  }
0x138: {  	s14 =	simm.s32 $0x10900  }
0x139: {  	[tilespmem:s14], [sflag:$0x3] =	stream.indirect_vreg.gather [hbm4b:s2+s3], $0x80, v3, vm0, $0xb8;
	[tilespmem:$0x18100] =	vst v63  }
0x13a: {  	s15 =	simm.s32 $0x11100  }
0x13b: {  	[tilespmem:s15], [sflag:$0x3] =	stream.indirect_vreg.gather [hbm4b:s5+s3], $0x80, v3, vm0, $0xb8;
	[tilespmem:$0x18100] =	vst v63  }
0x13c: {  	s13 =	simm.s32 $0x4;
	s22 =	simm.s32 $0x11900  }
0x13d: {  	[tilespmem:s22], [sflag:$0x3] =	stream.indirect_vreg.gather [hbm4b:s6+s3], $0x80, v3, vm0, $0xb8;
	[tilespmem:$0x18100] =	vst v63  }
0x13e: {  	_ =	swait.ge [sflag:s13], $0x6000  }
0x13f: {  	[sflag:s13] =	ssyncset.done $0x0  }
0x140: {  	s14 =	simm.s32 $0x8;
	s24 =	rddreg [dreg:$0x7];
	[sflag:s13] =	ssyncadd.s32 $0xFFFFA000  }
0x141: {  	[hbm4b:s24+s3] =	stream.linear.scatter [tilespmem:s1], [sflag:$0x8], $0x6000, $0x38;
	[tilespmem:$0x18100] =	vst v63  }
0x142: {  	_ =	swait.ge [sflag:s14], $0x6000  }
0x143: {  	[sflag:s14] =	ssyncset.done $0x0  }
0x144: {  	[sflag:s14] =	ssyncadd.s32 $0xFFFFA000  }
0x145: {  	v3 =	vld [tilespmem:$0xE0];
	_ =	sdelay $0x4  }
0x146: {  	v62 =	vshrl.u32 v3, $0x3  }
0x147: {  	v4 =	vmul.u32 $0x30, v62  }
0x148: {  	v3 =	vand.u32 $0x7, v3  }
0x149: {  	v3 =	vor.u32 v3, v4  }
0x14a: {  	v4 =	vperm.xlane v3, v0;
	_ =	sdelay $0x1  }
0x14b: {  	v4 =	vadd.s32 v1, v4;
	_ =	sdelay $0x3  }
0x14c: {  	v3 =	vperm.xlane v3, v2  }
0x14d: {  	[tilespmem:s1], [sflag:$0x4] =	stream.indirect_vreg.gather [hbm4b:s2+s3], $0x80, v4, vm0, $0xb8;
	[tilespmem:$0x18100] =	vst v63  }
0x14e: {  	s25 =	simm.s32 $0x12900;
	v3 =	vadd.s32 v1, v3  }
0x14f: {  	[tilespmem:s25], [sflag:$0x4] =	stream.indirect_vreg.gather [hbm4b:s5+s3], $0x80, v4, vm0, $0xb8;
	[tilespmem:$0x18100] =	vst v63  }
0x150: {  	s22 =	simm.s32 $0x13100  }
0x151: {  	[tilespmem:s22], [sflag:$0x4] =	stream.indirect_vreg.gather [hbm4b:s6+s3], $0x80, v4, vm0, $0xb8;
	[tilespmem:$0x18100] =	vst v63  }
0x152: {  	s24 =	simm.s32 $0x13900  }
0x153: {  	[tilespmem:s24], [sflag:$0x4] =	stream.indirect_vreg.gather [hbm4b:s2+s3], $0x80, v3, vm0, $0xb8;
	[tilespmem:$0x18100] =	vst v63  }
0x154: {  	s25 =	simm.s32 $0x14100  }
0x155: {  	[tilespmem:s25], [sflag:$0x4] =	stream.indirect_vreg.gather [hbm4b:s5+s3], $0x80, v3, vm0, $0xb8;
	[tilespmem:$0x18100] =	vst v63  }
0x156: {  	s22 =	simm.s32 $0x14900  }
0x157: {  	[tilespmem:s22], [sflag:$0x4] =	stream.indirect_vreg.gather [hbm4b:s6+s3], $0x80, v3, vm0, $0xb8;
	[tilespmem:$0x18100] =	vst v63  }
0x158: {  	v3 =	vld [tilespmem:$0xF0];
	_ =	sdelay $0x4  }
0x159: {  	v63 =	vshrl.u32 v3, $0x3  }
0x15a: {  	v4 =	vmul.u32 $0x30, v63  }
0x15b: {  	v3 =	vand.u32 $0x7, v3  }
0x15c: {  	v3 =	vor.u32 v3, v4  }
0x15d: {  	v4 =	vperm.xlane v3, v0;
	_ =	sdelay $0x1  }
0x15e: {  	v4 =	vadd.s32 v1, v4;
	_ =	sdelay $0x3  }
0x15f: {  	s24 =	simm.s32 $0x15100;
	v3 =	vperm.xlane v3, v2  }
0x160: {  	[tilespmem:s24], [sflag:$0x4] =	stream.indirect_vreg.gather [hbm4b:s2+s3], $0x80, v4, vm0, $0xb8;
	[tilespmem:$0x18100] =	vst v63  }
0x161: {  	s25 =	simm.s32 $0x15900;
	v3 =	vadd.s32 v1, v3  }
0x162: {  	[tilespmem:s25], [sflag:$0x4] =	stream.indirect_vreg.gather [hbm4b:s5+s3], $0x80, v4, vm0, $0xb8;
	[tilespmem:$0x18100] =	vst v63  }
0x163: {  	s22 =	simm.s32 $0x16100  }
0x164: {  	[tilespmem:s22], [sflag:$0x4] =	stream.indirect_vreg.gather [hbm4b:s6+s3], $0x80, v4, vm0, $0xb8;
	[tilespmem:$0x18100] =	vst v63  }
0x165: {  	s24 =	simm.s32 $0x16900  }
0x166: {  	[tilespmem:s24], [sflag:$0x4] =	stream.indirect_vreg.gather [hbm4b:s2+s3], $0x80, v3, vm0, $0xb8;
	[tilespmem:$0x18100] =	vst v63  }
0x167: {  	s25 =	simm.s32 $0x17100  }
0x168: {  	[tilespmem:s25], [sflag:$0x4] =	stream.indirect_vreg.gather [hbm4b:s5+s3], $0x80, v3, vm0, $0xb8;
	[tilespmem:$0x18100] =	vst v63  }
0x169: {  	s22 =	simm.s32 $0x17900  }
0x16a: {  	[tilespmem:s22], [sflag:$0x4] =	stream.indirect_vreg.gather [hbm4b:s6+s3], $0x80, v3, vm0, $0xb8;
	[tilespmem:$0x18100] =	vst v63  }
0x16b: {  	_ =	swait.ge [sflag:s0], $0x6000  }
0x16c: {  	[sflag:s0] =	ssyncset.done $0x0  }
0x16d: {  	s25 =	simm.s32 $0x100;
	s24 =	rddreg [dreg:$0x8];
	[sflag:s0] =	ssyncadd.s32 $0xFFFFA000  }
0x16e: {  	[hbm4b:s24+s3] =	stream.linear.scatter [tilespmem:s25], [sflag:$0x5], $0x6000, $0x38;
	[tilespmem:$0x18100] =	vst v63  }
0x16f: {  	_ =	swait.ge [sflag:s4], $0x6000  }
0x170: {  	[sflag:s4] =	ssyncset.done $0x0  }
0x171: {  	s7 =	simm.s32 $0x6100;
	s15 =	rddreg [dreg:$0x9];
	[sflag:s4] =	ssyncadd.s32 $0xFFFFA000  }
0x172: {  	[hbm4b:s15+s3] =	stream.linear.scatter [tilespmem:s7], [sflag:$0x6], $0x6000, $0x38;
	[tilespmem:$0x18100] =	vst v63  }
0x173: {  	_ =	swait.ge [sflag:s11], $0x6000  }
0x174: {  	[sflag:s11] =	ssyncset.done $0x0  }
0x175: {  	s24 =	rddreg [dreg:$0xa];
	[sflag:s11] =	ssyncadd.s32 $0xFFFFA000  }
0x176: {  	[hbm4b:s24+s3] =	stream.linear.scatter [tilespmem:s19], [sflag:$0x7], $0x6000, $0x38;
	[tilespmem:$0x18100] =	vst v63  }
0x177: {  	_ =	swait.ge [sflag:s13], $0x6000  }
0x178: {  	[sflag:s13] =	ssyncset.done $0x0  }
0x179: {  	s25 =	rddreg [dreg:$0xb];
	[sflag:s13] =	ssyncadd.s32 $0xFFFFA000  }
0x17a: {  	[hbm4b:s25+s3] =	stream.linear.scatter [tilespmem:s1], [sflag:$0x8], $0x6000, $0x38;
	[tilespmem:$0x18100] =	vst v63  }
0x17b: {  	_ =	swait.ge [sflag:s8], $0x6000  }
0x17c: {  	[sflag:s8] =	ssyncset.done $0x0  }
0x17d: {  	[sflag:s8] =	ssyncadd.s32 $0xFFFFA000  }
0x17e: {  	_ =	swait.ge [sflag:s9], $0x6000  }
0x17f: {  	[sflag:s9] =	ssyncset.done $0x0  }
0x180: {  	[sflag:s9] =	ssyncadd.s32 $0xFFFFA000  }
0x181: {  	p0 =	sne.s32 s10, $0x1;
	_ =	swait.ge [sflag:s12], $0x6000  }
.Ltmp0:
0x182: {  	[sflag:s12] =	ssyncset.done $0x0;
	(pc) =	sbr.rel @p0 .LBB2_1-.Ltmp0, $4  }
0x183: {  	[sflag:s12] =	ssyncadd.s32 $0xFFFFA000  }
0x184: {  	_ =	swait.ge [sflag:s14], $0x6000  }
0x185: {  	[sflag:s14] =	ssyncset.done $0x0  }
0x186: {  	s10 =	sadd.s32 $0xFFFFFFFF, s10;
	[sflag:s14] =	ssyncadd.s32 $0xFFFFA000  }
0x187: {  	_ =	sfence.sel $0x180000  }
0x188: {  	[bflag:$0x0] =	sbarrier.arrive $0xFFFF  }
0x189: {  	_ =	strace $0x90000047  }
0x18a: {  	s0 =	stileid.u32;
	[bflag:$0x2] =	sbarrier.arrive $0xFFFF  }
0x18b: {  	p0 =	sne.s32 s0, $0x0;
	s0 =	rddreg [dreg:$0x3]  }
0x18c: {  	s0 =	sadd.s32 @!p0 $0x100000, s0  }
0x18d: {  	[sflag:s0] =	ssyncadd.tile.s32 @!p0 $0x1;
	_ =	shalt  }
.Lfunc_end2:
_tile_overlayer_lowered:
.L_overlay_start_2:
0x18e: {  	(tag) =	ssettag $0x2  }
0x18f: {  	s0 =	rddreg [dreg:$0x0];
	s2 =	stileid.u32  }
0x190: {  	s1 =	rddreg [dreg:$0x1];
	p0 =	sne.s32 s2, $0x0  }
0x191: {  	s3 =	rddreg [dreg:$0x2];
	[bflag:$0x3] =	sbarrier.arrive $0xFFFF;
	s2 =	simm.s32 @!p0 $0x1C09  }
0x192: {  	[timem:s3], [sflag:s2] =	dma.local @!p0 [hbm:s0], s1  }
0x193: {  	s0 =	simm.s32 @!p0 $0x9  }
0x194: {  	_ =	swait.ge @!p0 [sflag:s0], s1  }
0x195: {  	s1 =	ssub.s32 @!p0 $0x0, s1;
	[sflag:s0] =	ssyncset.done @!p0 $0x0  }
0x196: {  	[sflag:s0] =	ssyncadd.s32 @!p0 s1  }
0x197: {  	[bflag:$0x3] =	sbarrier.arrive $0xFFFF  }
0x198: {  	_ =	shalt  }

</sc_bundles>
